<compile_context>
chip_gen: v7x
topology: tpu7x:2x2x1
jax: 0.10.2.dev20260603
libtpu: 0.0.44.dev20260713+nightly
codegen_flags: <defaults>
</compile_context>

<pallas_src>
import functools

import jax
import jax.numpy as jnp
import numpy as np
from jax import lax
from jax.experimental import pallas as pl
from jax.experimental.pallas import tpu as pltpu
from jax.experimental.pallas import tpu_sc as plsc

_N_NEG = 16
_L = 64
_TC = 4096

_order_cache = {}


def _threefry2x32(k1, k2, x0, x1):
    rot0 = (13, 15, 26, 6)
    rot1 = (17, 29, 16, 24)
    ks = (np.uint32(k1), np.uint32(k2),
          np.uint32(k1) ^ np.uint32(k2) ^ np.uint32(0x1BD11BDA))
    x0 = x0 + ks[0]
    x1 = x1 + ks[1]
    for r in range(5):
        for d in (rot0 if r % 2 == 0 else rot1):
            x0 = x0 + x1
            x1 = (x1 << np.uint32(d)) | (x1 >> np.uint32(32 - d))
            x1 = x1 ^ x0
        x0 = x0 + ks[(r + 1) % 3]
        x1 = x1 + ks[(r + 2) % 3] + np.uint32(r + 1)
    return x0, x1


def _order_const(B, T):
    if (B, T) not in _order_cache:
        n = B * B * T
        with np.errstate(over="ignore"):
            o0, o1 = _threefry2x32(0, 1, np.zeros(n, np.uint32),
                                   np.arange(n, dtype=np.uint32))
        bits = o0 ^ o1
        floats = ((bits >> np.uint32(9)) | np.uint32(0x3F800000)).view(np.float32) - np.float32(1.0)
        tiny = np.float32(np.finfo(np.float32).tiny)
        u = np.maximum(tiny, floats * (np.float32(1.0) - tiny) + tiny)
        g = (-np.log(-np.log(u))).reshape(B, B * T)
        order = np.argsort(-g, axis=1, kind="stable")[:, :_L]
        _order_cache[(B, T)] = np.ascontiguousarray(order.astype(np.int32))
    return _order_cache[(B, T)]


def _dense_body(sl_ref, mct_ref, b0_ref, b1_ref, neg_ref, dmask_ref, uc_ref,
                rmat_ref, acc_ref, out_ref):
    b = pl.program_id(0)
    j = pl.program_id(1)
    nb = pl.num_programs(0)
    nj = pl.num_programs(1)

    @pl.when(jnp.logical_and(b == 0, j == 0))
    def _init():
        acc_ref[...] = jnp.zeros_like(acc_ref)

    TQ = 4 * _TC
    t0 = j * _TC
    sl = sl_ref[b]

    @pl.when(t0 + 1 < sl)
    def _compute():
        Mt = mct_ref[0].astype(jnp.bfloat16)
        bw = jnp.concatenate([b0_ref[0], b1_ref[0]],
                             axis=0).astype(jnp.bfloat16)
        neg = neg_ref[0].astype(jnp.bfloat16)

        MtT = Mt.T
        neg_all = jax.lax.dot_general(
            neg, MtT, (((1,), (0,)), ((), ())),
            preferred_element_type=jnp.float32)

        dmask = dmask_ref[...]
        parts = []
        for sb in range(TQ // 128):
            s2 = jax.lax.dot_general(
                bw[32 * sb: 32 * sb + 40], MtT[:, 128 * sb: 128 * (sb + 1)],
                (((1,), (0,)), ((), ())),
                preferred_element_type=jnp.float32)
            parts.append(jnp.sum(s2 * dmask, axis=0, keepdims=True))
        pos = jnp.concatenate(parts, axis=1)

        logits = jnp.concatenate([pos, neg_all], axis=0)
        mx = jnp.max(logits, axis=0, keepdims=True)
        ssum = jnp.sum(jnp.exp(logits - mx), axis=0, keepdims=True)
        loss = mx + jnp.log(ssum) - pos

        m = ((uc_ref[...] + t0) < sl).astype(jnp.float32)
        lm = loss * m
        acc_ref[...] += jnp.concatenate([lm, m], axis=0)

    @pl.when(jnp.logical_and(b == nb - 1, j == nj - 1))
    def _final():
        out_ref[...] = jax.lax.dot_general(
            acc_ref[...], rmat_ref[...], (((1,), (0,)), ((), ())),
            preferred_element_type=jnp.float32)


def _dense_scores(seq_lens, mct, base, neg):
    B, TQ_full, D = mct.shape
    T = TQ_full // 4
    J = T // _TC
    TQ = 4 * _TC
    rmat = np.zeros((TQ, 128), np.float32)
    rmat[np.arange(TQ), np.arange(TQ) % 4] = 1.0
    dmask = np.zeros((40, 128), np.float32)
    lcol = np.arange(128)
    dmask[lcol // 4 + lcol % 4 + 1, lcol] = 1.0
    uc = (np.arange(TQ) // 4 + np.arange(TQ) % 4 + 1).astype(np.int32)[None]
    grid_spec = pltpu.PrefetchScalarGridSpec(
        num_scalar_prefetch=1,
        grid=(B, J),
        in_specs=[
            pl.BlockSpec((1, TQ, D), lambda b, j, sl: (b, j, 0)),
            pl.BlockSpec((1, _TC, D), lambda b, j, sl: (b, j, 0)),
            pl.BlockSpec((1, 64, D),
                         lambda b, j, sl: (jnp.minimum(
                             b * (T // 64) + (j + 1) * (_TC // 64),
                             B * (T // 64) - 1), 0, 0)),
            pl.BlockSpec((1, _N_NEG, D), lambda b, j, sl: (b, 0, 0)),
            pl.BlockSpec((40, 128), lambda b, j, sl: (0, 0)),
            pl.BlockSpec((1, TQ), lambda b, j, sl: (0, 0)),
            pl.BlockSpec((TQ, 128), lambda b, j, sl: (0, 0)),
        ],
        out_specs=[
            pl.BlockSpec((2, TQ), lambda b, j, sl: (0, 0)),
            pl.BlockSpec((2, 128), lambda b, j, sl: (0, 0)),
        ],
    )
    acc, out = pl.pallas_call(
        _dense_body,
        grid_spec=grid_spec,
        out_shape=[jax.ShapeDtypeStruct((2, TQ), jnp.float32),
                   jax.ShapeDtypeStruct((2, 128), jnp.float32)],
    )(seq_lens, mct, base, base.reshape(B * T // 64, 64, D), neg,
      jnp.asarray(dmask), jnp.asarray(uc), jnp.asarray(rmat))
    return out


def _select_gather(order, seq_lens, base_flat, T):
    B, D = seq_lens.shape[0], base_flat.shape[1]
    tcon = jnp.asarray(_order_const(B, T) % T, dtype=jnp.int32)
    lim = seq_lens[jnp.asarray(_order_const(B, T) // T)]
    info = plsc.get_sparse_core_info()
    NC = info.num_cores
    mesh = plsc.VectorSubcoreMesh(core_axis_name="c", subcore_axis_name="s")

    @functools.partial(
        pl.kernel, mesh=mesh,
        compiler_params=pltpu.CompilerParams(needs_layout_passes=False),
        out_type=jax.ShapeDtypeStruct((B, _N_NEG, D), jnp.float32),
        scratch_types=[
            pltpu.VMEM((_L,), jnp.int32),
            pltpu.VMEM((_L,), jnp.int32),
            pltpu.VMEM((_L,), jnp.int32),
            pltpu.VMEM((_N_NEG,), jnp.int32),
            pltpu.VMEM((_N_NEG, D), jnp.float32),
            pltpu.SemaphoreType.DMA,
        ],
    )
    def k(ord_hbm, tcon_hbm, lim_hbm, base_hbm, out_hbm,
          ord_v, tcon_v, lim_v, idv, rows_v, sem):
        wid = lax.axis_index("s") * NC + lax.axis_index("c")

        @pl.when(wid < B)
        def _():
            pltpu.sync_copy(ord_hbm.at[wid], ord_v)
            pltpu.sync_copy(tcon_hbm.at[wid], tcon_v)
            pltpu.sync_copy(lim_hbm.at[wid], lim_v)
            cnt = jnp.zeros((16,), jnp.int32)
            for c in range(_L // 16):
                j = ord_v[pl.ds(16 * c, 16)]
                valid = tcon_v[pl.ds(16 * c, 16)] < lim_v[pl.ds(16 * c, 16)]
                rank = cnt + plsc.cumsum(valid.astype(jnp.int32)) - 1
                write = valid & (rank < _N_NEG)
                plsc.store_scatter(idv, [rank], j, mask=write)
                cnt = cnt + plsc.all_reduce_population_count(valid)
            pltpu.async_copy(base_hbm.at[idv], rows_v, sem).wait()
            pltpu.sync_copy(rows_v, out_hbm.at[wid])

    return k(order, tcon, lim, base_flat)


def kernel(base_payload, mapped_ctx_payload, seq_lens):
    B, T, D = base_payload.shape
    K = mapped_ctx_payload.shape[-1]
    order = jnp.asarray(_order_const(B, T))

    neg = _select_gather(order, seq_lens, base_payload.reshape(B * T, D), T)

    mct = mapped_ctx_payload.transpose(0, 1, 3, 2).reshape(B, T * K, D)
    out = _dense_scores(seq_lens, mct, base_payload, neg)
    return jnp.mean(out[0, :K] / out[1, :K])

# --- scband reference (transcript-rebuilt; emitter-appended) ---
"""Pipeline reference for scband-cpc-loss-21715354648691 (READ-ONLY COPY).

The authoritative reference and input builder live on the scoring server;
editing this copy changes nothing except your own understanding.
"""

import jax, jax.numpy as jnp
import numpy as np

N_NEGATIVES = 16
N_FORWARD_STEPS = 4


def setup_inputs(seed: int = 0) -> dict:
    key = jax.random.key(seed)
    k1, k2, k3 = jax.random.split(key, 3)
    B, T, D, K = 16, 4096, 128, 4
    base_payload = jax.random.normal(k1, (B, T, D), dtype=jnp.float32)
    mapped_ctx_payload = jax.random.normal(k2, (B, T, D, K), dtype=jnp.float32)
    # sequence lengths in [T//2, T) so every row has valid positions for all forward steps
    seq_lens = jax.random.randint(k3, (B,), T // 2, T, dtype=jnp.int32)
    return {"base_payload": base_payload, "mapped_ctx_payload": mapped_ctx_payload, "seq_lens": seq_lens}


def _sample_negative_ids(len_mask, n_negatives):
    # emulates torch.multinomial(mask, n_negatives) (without replacement, uniform over
    # valid positions) via the Gumbel top-k trick
    B, T = len_mask.shape
    mask = jnp.broadcast_to(len_mask[None, :, :], (B, B, T)).reshape(B, B * T)
    g = jax.random.gumbel(jax.random.key(1), mask.shape, dtype=jnp.float32)
    scores = jnp.where(mask > 0, g, -jnp.inf)
    _, sample_ids = jax.lax.top_k(scores, n_negatives)
    return sample_ids


def reference(base_payload, mapped_ctx_payload, seq_lens):
    B, T, D = base_payload.shape
    K = mapped_ctx_payload.shape[-1]
    len_mask = (jnp.arange(T)[None, :] < seq_lens[:, None]).astype(jnp.float32)  # [B, T]
    sample_ids = _sample_negative_ids(len_mask, N_NEGATIVES)  # [B, n_neg]
    possible_negatives = base_payload.reshape(B * T, D)
    neg_samples = jnp.take(possible_negatives, sample_ids, axis=0)  # [B, n_neg, D] gather
    trimmed_mce = mapped_ctx_payload * len_mask[:, :, None, None]  # [B, T, D, K]
    step_losses = []
    for i in range(K):
        s = i + 1
        ce_i = trimmed_mce[:, 0:T - s, :, i]          # [B, T-s, D]
        be_i = base_payload[:, s:T]                    # [B, T-s, D]
        positive_pred_i = jnp.sum(ce_i * be_i, axis=-1)  # [B, T-s]
        neg_pred_i = jnp.einsum('btd,bnd->btn', ce_i, neg_samples)  # [B, T-s, n_neg]
        positions = jnp.arange(T - s)
        m = ((positions[None, :] + s) < seq_lens[:, None]).astype(jnp.float32)
        logits = jnp.concatenate([positive_pred_i[..., None], neg_pred_i], axis=-1)
        step_loss = -jax.nn.log_softmax(logits, axis=-1)[:, :, 0]
        step_losses.append(jnp.sum(step_loss * m) / jnp.sum(m))
    loss = jnp.mean(jnp.stack(step_losses))
    return loss

if __name__ == "__main__":
    import jax
    _d = setup_inputs()
    print(jax.jit(kernel)(*tuple(_d.values())))

</pallas_src>

<mosaic_0001>
#map = affine_map<(d0, d1) -> (0, 0)>
#map1 = affine_map<(d0, d1) -> (0, 0, 0)>
module attributes {stable_mosaic.version = 14 : i64} {
  func.func @k(%arg0: i32, %arg1: i32, %arg2: memref<16x64xi32, #tpu.memory_space<hbm>>, %arg3: memref<16x64xi32, #tpu.memory_space<hbm>>, %arg4: memref<16x64xi32, #tpu.memory_space<hbm>>, %arg5: memref<65536x128xf32, #tpu.memory_space<hbm>>, %arg6: memref<16x16x128xf32, #tpu.memory_space<hbm>>, %arg7: memref<64xi32, #tpu.memory_space<vmem>>, %arg8: memref<64xi32, #tpu.memory_space<vmem>>, %arg9: memref<64xi32, #tpu.memory_space<vmem>>, %arg10: memref<16xi32, #tpu.memory_space<vmem>>, %arg11: memref<16x128xf32, #tpu.memory_space<vmem>>, %arg12: memref<!tpu.dma_semaphore, #tpu.memory_space<semaphore_mem>>) attributes {dimension_semantics = [#tpu.dimension_semantics<core_parallel>, #tpu.dimension_semantics<subcore_parallel>], iteration_bounds = array<i64: 2, 16>, scalar_prefetch = 0 : i64, scratch_operands = 6 : i64, tpu.core_type = #tpu.core_type<sc_vector_subcore>, window_params = [{transform_indices = #map}, {transform_indices = #map}, {transform_indices = #map}, {transform_indices = #map}, {transform_indices = #map1}]} {
    %mul3A = arith.constant 2 : i32
    %mul3A_0 = arith.muli %arg1, %mul3A : i32
    %add3A = arith.addi %mul3A_0, %arg0 : i32
    %lt3A = arith.constant 16 : i32
    %lt3A_1 = arith.cmpi slt, %add3A, %lt3A : i32
    %convert_element_type3A = arith.extui %lt3A_1 : i1 to i32
    %cond3A = arith.constant 0 : i32
    %cond3A_2 = arith.cmpi ne, %convert_element_type3A, %cond3A : i32
    scf.if %cond3A_2 {
      "tpu.region"() ({
        %run_scoped3A = tpu.sem_alloc : memref<!tpu.dma_semaphore, #tpu.memory_space<semaphore_mem>>
        %dma_start3A_87 = arith.constant 0 : i32
        %dma_start3A_88 = tpu.memref_slice %arg2[%add3A, %dma_start3A_87] : memref<16x64xi32, #tpu.memory_space<hbm>> -> memref<1x64xi32, #tpu.memory_space<hbm>>
        %dma_start3A_89 = tpu.memref_squeeze %dma_start3A_88 : memref<1x64xi32, #tpu.memory_space<hbm>> -> memref<64xi32, #tpu.memory_space<hbm>>
        %dma_start3A_90 = arith.constant 0 : i32
        %dma_start3A_91 = tpu.memref_slice %arg2[%add3A, %dma_start3A_90] : memref<16x64xi32, #tpu.memory_space<hbm>> -> memref<1x64xi32, #tpu.memory_space<hbm>>
        %dma_start3A_92 = tpu.memref_squeeze %dma_start3A_91 : memref<1x64xi32, #tpu.memory_space<hbm>> -> memref<64xi32, #tpu.memory_space<hbm>>
        tpu.enqueue_dma source(%dma_start3A_92 : memref<64xi32, #tpu.memory_space<hbm>>) target(%arg7 : memref<64xi32, #tpu.memory_space<vmem>>) target_semaphore(%run_scoped3A : memref<!tpu.dma_semaphore, #tpu.memory_space<semaphore_mem>>)
        %dma_wait3A_93 = arith.constant 0 : i32
        %dma_wait3A_94 = tpu.memref_slice %arg2[%add3A, %dma_wait3A_93] : memref<16x64xi32, #tpu.memory_space<hbm>> -> memref<1x64xi32, #tpu.memory_space<hbm>>
        %dma_wait3A_95 = tpu.memref_squeeze %dma_wait3A_94 : memref<1x64xi32, #tpu.memory_space<hbm>> -> memref<64xi32, #tpu.memory_space<hbm>>
        %dma_wait3A_96 = arith.constant 0 : i32
        %dma_wait3A_97 = tpu.memref_slice %arg2[%add3A, %dma_wait3A_96] : memref<16x64xi32, #tpu.memory_space<hbm>> -> memref<1x64xi32, #tpu.memory_space<hbm>>
        %dma_wait3A_98 = tpu.memref_squeeze %dma_wait3A_97 : memref<1x64xi32, #tpu.memory_space<hbm>> -> memref<64xi32, #tpu.memory_space<hbm>>
        tpu.wait_dma2 semaphore(%run_scoped3A : memref<!tpu.dma_semaphore, #tpu.memory_space<semaphore_mem>>) src(%dma_wait3A_98 : memref<64xi32, #tpu.memory_space<hbm>>) dst(%arg7 : memref<64xi32, #tpu.memory_space<vmem>>)
        tpu.yield
      }) : () -> ()
      "tpu.region"() ({
        %run_scoped3A = tpu.sem_alloc : memref<!tpu.dma_semaphore, #tpu.memory_space<semaphore_mem>>
        %dma_start3A_87 = arith.constant 0 : i32
        %dma_start3A_88 = tpu.memref_slice %arg3[%add3A, %dma_start3A_87] : memref<16x64xi32, #tpu.memory_space<hbm>> -> memref<1x64xi32, #tpu.memory_space<hbm>>
        %dma_start3A_89 = tpu.memref_squeeze %dma_start3A_88 : memref<1x64xi32, #tpu.memory_space<hbm>> -> memref<64xi32, #tpu.memory_space<hbm>>
        %dma_start3A_90 = arith.constant 0 : i32
        %dma_start3A_91 = tpu.memref_slice %arg3[%add3A, %dma_start3A_90] : memref<16x64xi32, #tpu.memory_space<hbm>> -> memref<1x64xi32, #tpu.memory_space<hbm>>
        %dma_start3A_92 = tpu.memref_squeeze %dma_start3A_91 : memref<1x64xi32, #tpu.memory_space<hbm>> -> memref<64xi32, #tpu.memory_space<hbm>>
        tpu.enqueue_dma source(%dma_start3A_92 : memref<64xi32, #tpu.memory_space<hbm>>) target(%arg8 : memref<64xi32, #tpu.memory_space<vmem>>) target_semaphore(%run_scoped3A : memref<!tpu.dma_semaphore, #tpu.memory_space<semaphore_mem>>)
        %dma_wait3A_93 = arith.constant 0 : i32
        %dma_wait3A_94 = tpu.memref_slice %arg3[%add3A, %dma_wait3A_93] : memref<16x64xi32, #tpu.memory_space<hbm>> -> memref<1x64xi32, #tpu.memory_space<hbm>>
        %dma_wait3A_95 = tpu.memref_squeeze %dma_wait3A_94 : memref<1x64xi32, #tpu.memory_space<hbm>> -> memref<64xi32, #tpu.memory_space<hbm>>
        %dma_wait3A_96 = arith.constant 0 : i32
        %dma_wait3A_97 = tpu.memref_slice %arg3[%add3A, %dma_wait3A_96] : memref<16x64xi32, #tpu.memory_space<hbm>> -> memref<1x64xi32, #tpu.memory_space<hbm>>
        %dma_wait3A_98 = tpu.memref_squeeze %dma_wait3A_97 : memref<1x64xi32, #tpu.memory_space<hbm>> -> memref<64xi32, #tpu.memory_space<hbm>>
        tpu.wait_dma2 semaphore(%run_scoped3A : memref<!tpu.dma_semaphore, #tpu.memory_space<semaphore_mem>>) src(%dma_wait3A_98 : memref<64xi32, #tpu.memory_space<hbm>>) dst(%arg8 : memref<64xi32, #tpu.memory_space<vmem>>)
        tpu.yield
      }) : () -> ()
      "tpu.region"() ({
        %run_scoped3A = tpu.sem_alloc : memref<!tpu.dma_semaphore, #tpu.memory_space<semaphore_mem>>
        %dma_start3A_87 = arith.constant 0 : i32
        %dma_start3A_88 = tpu.memref_slice %arg4[%add3A, %dma_start3A_87] : memref<16x64xi32, #tpu.memory_space<hbm>> -> memref<1x64xi32, #tpu.memory_space<hbm>>
        %dma_start3A_89 = tpu.memref_squeeze %dma_start3A_88 : memref<1x64xi32, #tpu.memory_space<hbm>> -> memref<64xi32, #tpu.memory_space<hbm>>
        %dma_start3A_90 = arith.constant 0 : i32
        %dma_start3A_91 = tpu.memref_slice %arg4[%add3A, %dma_start3A_90] : memref<16x64xi32, #tpu.memory_space<hbm>> -> memref<1x64xi32, #tpu.memory_space<hbm>>
        %dma_start3A_92 = tpu.memref_squeeze %dma_start3A_91 : memref<1x64xi32, #tpu.memory_space<hbm>> -> memref<64xi32, #tpu.memory_space<hbm>>
        tpu.enqueue_dma source(%dma_start3A_92 : memref<64xi32, #tpu.memory_space<hbm>>) target(%arg9 : memref<64xi32, #tpu.memory_space<vmem>>) target_semaphore(%run_scoped3A : memref<!tpu.dma_semaphore, #tpu.memory_space<semaphore_mem>>)
        %dma_wait3A_93 = arith.constant 0 : i32
        %dma_wait3A_94 = tpu.memref_slice %arg4[%add3A, %dma_wait3A_93] : memref<16x64xi32, #tpu.memory_space<hbm>> -> memref<1x64xi32, #tpu.memory_space<hbm>>
        %dma_wait3A_95 = tpu.memref_squeeze %dma_wait3A_94 : memref<1x64xi32, #tpu.memory_space<hbm>> -> memref<64xi32, #tpu.memory_space<hbm>>
        %dma_wait3A_96 = arith.constant 0 : i32
        %dma_wait3A_97 = tpu.memref_slice %arg4[%add3A, %dma_wait3A_96] : memref<16x64xi32, #tpu.memory_space<hbm>> -> memref<1x64xi32, #tpu.memory_space<hbm>>
        %dma_wait3A_98 = tpu.memref_squeeze %dma_wait3A_97 : memref<1x64xi32, #tpu.memory_space<hbm>> -> memref<64xi32, #tpu.memory_space<hbm>>
        tpu.wait_dma2 semaphore(%run_scoped3A : memref<!tpu.dma_semaphore, #tpu.memory_space<semaphore_mem>>) src(%dma_wait3A_98 : memref<64xi32, #tpu.memory_space<hbm>>) dst(%arg9 : memref<64xi32, #tpu.memory_space<vmem>>)
        tpu.yield
      }) : () -> ()
      %broadcast_in_dim3A = arith.constant 0 : i32
      %broadcast_in_dim3A_3 = vector.broadcast %broadcast_in_dim3A : i32 to vector<16xi32>
      %get3A = arith.constant 0 : index
      %get3A_4 = tpu.vector_load %arg7[%get3A] {strides = array<i32>} : memref<64xi32, #tpu.memory_space<vmem>>, vector<16xi32>,
      %get3A_5 = arith.constant 0 : index
      %get3A_6 = tpu.vector_load %arg8[%get3A_5] {strides = array<i32>} : memref<64xi32, #tpu.memory_space<vmem>>, vector<16xi32>,
      %get3A_7 = arith.constant 0 : index
      %get3A_8 = tpu.vector_load %arg9[%get3A_7] {strides = array<i32>} : memref<64xi32, #tpu.memory_space<vmem>>, vector<16xi32>,
      %lt3A_9 = arith.cmpi slt, %get3A_6, %get3A_8 : vector<16xi32>
      %convert_element_type3A_10 = arith.extui %lt3A_9 : vector<16xi1> to vector<16xi32>
      %broadcast_in_dim3A_11 = arith.constant true
      %broadcast_in_dim3A_12 = vector.broadcast %broadcast_in_dim3A_11 : i1 to vector<16xi1>
      %masked_cumsum3A = tpu.scan <sum>, %convert_element_type3A_10 masked %broadcast_in_dim3A_12 : vector<16xi32>, vector<16xi1> -> vector<16xi32>
      %add3A_13 = arith.addi %broadcast_in_dim3A_3, %masked_cumsum3A : vector<16xi32>
      %sub3A = arith.constant 1 : i32
      %sub3A_14 = vector.broadcast %sub3A : i32 to vector<16xi32>
      %sub3A_15 = arith.subi %add3A_13, %sub3A_14 : vector<16xi32>
      %lt3A_16 = arith.constant 16 : i32
      %lt3A_17 = vector.broadcast %lt3A_16 : i32 to vector<16xi32>
      %lt3A_18 = arith.cmpi slt, %sub3A_15, %lt3A_17 : vector<16xi32>
      %and3A = arith.andi %lt3A_9, %lt3A_18 : vector<16xi1>
      tpu.vector_store_idx %arg10[%sub3A_15], %get3A_4 masked %and3A : memref<16xi32, #tpu.memory_space<vmem>>[vector<16xi32>], vector<16xi32>, vector<16xi1>
      %all_reduce_population_count3A = tpu.all_reduce %lt3A_9 {dim = 0 : i64, kind = #tpu.reduction_kind<sum>} : vector<16xi1> -> vector<16xi32>
      %add3A_19 = arith.addi %broadcast_in_dim3A_3, %all_reduce_population_count3A : vector<16xi32>
      %get3A_20 = arith.constant 16 : index
      %get3A_21 = tpu.vector_load %arg7[%get3A_20] {strides = array<i32>} : memref<64xi32, #tpu.memory_space<vmem>>, vector<16xi32>,
      %get3A_22 = arith.constant 16 : index
      %get3A_23 = tpu.vector_load %arg8[%get3A_22] {strides = array<i32>} : memref<64xi32, #tpu.memory_space<vmem>>, vector<16xi32>,
      %get3A_24 = arith.constant 16 : index
      %get3A_25 = tpu.vector_load %arg9[%get3A_24] {strides = array<i32>} : memref<64xi32, #tpu.memory_space<vmem>>, vector<16xi32>,
      %lt3A_26 = arith.cmpi slt, %get3A_23, %get3A_25 : vector<16xi32>
      %convert_element_type3A_27 = arith.extui %lt3A_26 : vector<16xi1> to vector<16xi32>
      %broadcast_in_dim3A_28 = arith.constant true
      %broadcast_in_dim3A_29 = vector.broadcast %broadcast_in_dim3A_28 : i1 to vector<16xi1>
      %masked_cumsum3A_30 = tpu.scan <sum>, %convert_element_type3A_27 masked %broadcast_in_dim3A_29 : vector<16xi32>, vector<16xi1> -> vector<16xi32>
      %add3A_31 = arith.addi %add3A_19, %masked_cumsum3A_30 : vector<16xi32>
      %sub3A_32 = arith.constant 1 : i32
      %sub3A_33 = vector.broadcast %sub3A_32 : i32 to vector<16xi32>
      %sub3A_34 = arith.subi %add3A_31, %sub3A_33 : vector<16xi32>
      %lt3A_35 = arith.constant 16 : i32
      %lt3A_36 = vector.broadcast %lt3A_35 : i32 to vector<16xi32>
      %lt3A_37 = arith.cmpi slt, %sub3A_34, %lt3A_36 : vector<16xi32>
      %and3A_38 = arith.andi %lt3A_26, %lt3A_37 : vector<16xi1>
      tpu.vector_store_idx %arg10[%sub3A_34], %get3A_21 masked %and3A_38 : memref<16xi32, #tpu.memory_space<vmem>>[vector<16xi32>], vector<16xi32>, vector<16xi1>
      %all_reduce_population_count3A_39 = tpu.all_reduce %lt3A_26 {dim = 0 : i64, kind = #tpu.reduction_kind<sum>} : vector<16xi1> -> vector<16xi32>
      %add3A_40 = arith.addi %add3A_19, %all_reduce_population_count3A_39 : vector<16xi32>
      %get3A_41 = arith.constant 32 : index
      %get3A_42 = tpu.vector_load %arg7[%get3A_41] {strides = array<i32>} : memref<64xi32, #tpu.memory_space<vmem>>, vector<16xi32>,
      %get3A_43 = arith.constant 32 : index
      %get3A_44 = tpu.vector_load %arg8[%get3A_43] {strides = array<i32>} : memref<64xi32, #tpu.memory_space<vmem>>, vector<16xi32>,
      %get3A_45 = arith.constant 32 : index
      %get3A_46 = tpu.vector_load %arg9[%get3A_45] {strides = array<i32>} : memref<64xi32, #tpu.memory_space<vmem>>, vector<16xi32>,
      %lt3A_47 = arith.cmpi slt, %get3A_44, %get3A_46 : vector<16xi32>
      %convert_element_type3A_48 = arith.extui %lt3A_47 : vector<16xi1> to vector<16xi32>
      %broadcast_in_dim3A_49 = arith.constant true
      %broadcast_in_dim3A_50 = vector.broadcast %broadcast_in_dim3A_49 : i1 to vector<16xi1>
      %masked_cumsum3A_51 = tpu.scan <sum>, %convert_element_type3A_48 masked %broadcast_in_dim3A_50 : vector<16xi32>, vector<16xi1> -> vector<16xi32>
      %add3A_52 = arith.addi %add3A_40, %masked_cumsum3A_51 : vector<16xi32>
      %sub3A_53 = arith.constant 1 : i32
      %sub3A_54 = vector.broadcast %sub3A_53 : i32 to vector<16xi32>
      %sub3A_55 = arith.subi %add3A_52, %sub3A_54 : vector<16xi32>
      %lt3A_56 = arith.constant 16 : i32
      %lt3A_57 = vector.broadcast %lt3A_56 : i32 to vector<16xi32>
      %lt3A_58 = arith.cmpi slt, %sub3A_55, %lt3A_57 : vector<16xi32>
      %and3A_59 = arith.andi %lt3A_47, %lt3A_58 : vector<16xi1>
      tpu.vector_store_idx %arg10[%sub3A_55], %get3A_42 masked %and3A_59 : memref<16xi32, #tpu.memory_space<vmem>>[vector<16xi32>], vector<16xi32>, vector<16xi1>
      %all_reduce_population_count3A_60 = tpu.all_reduce %lt3A_47 {dim = 0 : i64, kind = #tpu.reduction_kind<sum>} : vector<16xi1> -> vector<16xi32>
      %add3A_61 = arith.addi %add3A_40, %all_reduce_population_count3A_60 : vector<16xi32>
      %get3A_62 = arith.constant 48 : index
      %get3A_63 = tpu.vector_load %arg7[%get3A_62] {strides = array<i32>} : memref<64xi32, #tpu.memory_space<vmem>>, vector<16xi32>,
      %get3A_64 = arith.constant 48 : index
      %get3A_65 = tpu.vector_load %arg8[%get3A_64] {strides = array<i32>} : memref<64xi32, #tpu.memory_space<vmem>>, vector<16xi32>,
      %get3A_66 = arith.constant 48 : index
      %get3A_67 = tpu.vector_load %arg9[%get3A_66] {strides = array<i32>} : memref<64xi32, #tpu.memory_space<vmem>>, vector<16xi32>,
      %lt3A_68 = arith.cmpi slt, %get3A_65, %get3A_67 : vector<16xi32>
      %convert_element_type3A_69 = arith.extui %lt3A_68 : vector<16xi1> to vector<16xi32>
      %broadcast_in_dim3A_70 = arith.constant true
      %broadcast_in_dim3A_71 = vector.broadcast %broadcast_in_dim3A_70 : i1 to vector<16xi1>
      %masked_cumsum3A_72 = tpu.scan <sum>, %convert_element_type3A_69 masked %broadcast_in_dim3A_71 : vector<16xi32>, vector<16xi1> -> vector<16xi32>
      %add3A_73 = arith.addi %add3A_61, %masked_cumsum3A_72 : vector<16xi32>
      %sub3A_74 = arith.constant 1 : i32
      %sub3A_75 = vector.broadcast %sub3A_74 : i32 to vector<16xi32>
      %sub3A_76 = arith.subi %add3A_73, %sub3A_75 : vector<16xi32>
      %lt3A_77 = arith.constant 16 : i32
      %lt3A_78 = vector.broadcast %lt3A_77 : i32 to vector<16xi32>
      %lt3A_79 = arith.cmpi slt, %sub3A_76, %lt3A_78 : vector<16xi32>
      %and3A_80 = arith.andi %lt3A_68, %lt3A_79 : vector<16xi1>
      tpu.vector_store_idx %arg10[%sub3A_76], %get3A_63 masked %and3A_80 : memref<16xi32, #tpu.memory_space<vmem>>[vector<16xi32>], vector<16xi32>, vector<16xi1>
      %all_reduce_population_count3A_81 = tpu.all_reduce %lt3A_68 {dim = 0 : i64, kind = #tpu.reduction_kind<sum>} : vector<16xi1> -> vector<16xi32>
      %add3A_82 = arith.addi %add3A_61, %all_reduce_population_count3A_81 : vector<16xi32>
      %dma_start3A = arith.constant 0 : i32
      %dma_start3A_83 = arith.constant 0 : i32
      %dma_start3A_84 = tpu.memref_slice %arg5[%dma_start3A, %dma_start3A_83] : memref<65536x128xf32, #tpu.memory_space<hbm>> -> memref<65536x128xf32, #tpu.memory_space<hbm>>
      tpu.enqueue_indirect_dma source(%dma_start3A_84 : memref<65536x128xf32, #tpu.memory_space<hbm>>) target(%arg11 : memref<16x128xf32, #tpu.memory_space<vmem>>) offsets(%arg10 : memref<16xi32, #tpu.memory_space<vmem>>) semaphore(%arg12 : memref<!tpu.dma_semaphore, #tpu.memory_space<semaphore_mem>>)
      %dma_wait3A = arith.constant 0 : i32
      %dma_wait3A_85 = arith.constant 0 : i32
      %dma_wait3A_86 = tpu.memref_slice %arg5[%dma_wait3A, %dma_wait3A_85] : memref<65536x128xf32, #tpu.memory_space<hbm>> -> memref<65536x128xf32, #tpu.memory_space<hbm>>
      tpu.wait_indirect_dma semaphore(%arg12 : memref<!tpu.dma_semaphore, #tpu.memory_space<semaphore_mem>>) src(%dma_wait3A_86 : memref<65536x128xf32, #tpu.memory_space<hbm>>) dst(%arg11 : memref<16x128xf32, #tpu.memory_space<vmem>>)
      "tpu.region"() ({
        %run_scoped3A = tpu.sem_alloc : memref<!tpu.dma_semaphore, #tpu.memory_space<semaphore_mem>>
        %dma_start3A_87 = arith.constant 0 : i32
        %dma_start3A_88 = arith.constant 0 : i32
        %dma_start3A_89 = tpu.memref_slice %arg6[%add3A, %dma_start3A_87, %dma_start3A_88] : memref<16x16x128xf32, #tpu.memory_space<hbm>> -> memref<1x16x128xf32, #tpu.memory_space<hbm>>
        %dma_start3A_90 = tpu.memref_squeeze %dma_start3A_89 : memref<1x16x128xf32, #tpu.memory_space<hbm>> -> memref<16x128xf32, #tpu.memory_space<hbm>>
        %dma_start3A_91 = arith.constant 0 : i32
        %dma_start3A_92 = arith.constant 0 : i32
        %dma_start3A_93 = tpu.memref_slice %arg6[%add3A, %dma_start3A_91, %dma_start3A_92] : memref<16x16x128xf32, #tpu.memory_space<hbm>> -> memref<1x16x128xf32, #tpu.memory_space<hbm>>
        %dma_start3A_94 = tpu.memref_squeeze %dma_start3A_93 : memref<1x16x128xf32, #tpu.memory_space<hbm>> -> memref<16x128xf32, #tpu.memory_space<hbm>>
        tpu.enqueue_dma source(%arg11 : memref<16x128xf32, #tpu.memory_space<vmem>>) target(%dma_start3A_94 : memref<16x128xf32, #tpu.memory_space<hbm>>) target_semaphore(%run_scoped3A : memref<!tpu.dma_semaphore, #tpu.memory_space<semaphore_mem>>)
        %dma_wait3A_95 = arith.constant 0 : i32
        %dma_wait3A_96 = arith.constant 0 : i32
        %dma_wait3A_97 = tpu.memref_slice %arg6[%add3A, %dma_wait3A_95, %dma_wait3A_96] : memref<16x16x128xf32, #tpu.memory_space<hbm>> -> memref<1x16x128xf32, #tpu.memory_space<hbm>>
        %dma_wait3A_98 = tpu.memref_squeeze %dma_wait3A_97 : memref<1x16x128xf32, #tpu.memory_space<hbm>> -> memref<16x128xf32, #tpu.memory_space<hbm>>
        %dma_wait3A_99 = arith.constant 0 : i32
        %dma_wait3A_100 = arith.constant 0 : i32
        %dma_wait3A_101 = tpu.memref_slice %arg6[%add3A, %dma_wait3A_99, %dma_wait3A_100] : memref<16x16x128xf32, #tpu.memory_space<hbm>> -> memref<1x16x128xf32, #tpu.memory_space<hbm>>
        %dma_wait3A_102 = tpu.memref_squeeze %dma_wait3A_101 : memref<1x16x128xf32, #tpu.memory_space<hbm>> -> memref<16x128xf32, #tpu.memory_space<hbm>>
        tpu.wait_dma2 semaphore(%run_scoped3A : memref<!tpu.dma_semaphore, #tpu.memory_space<semaphore_mem>>) src(%arg11 : memref<16x128xf32, #tpu.memory_space<vmem>>) dst(%dma_wait3A_102 : memref<16x128xf32, #tpu.memory_space<hbm>>)
        tpu.yield
      }) : () -> ()
    } else {
    }
    return
  }
}

module attributes {stable_mosaic.version = 14 : i64} {
  func.func @_dense_body(%arg0: i32, %arg1: i32, %arg2: memref<16xi32, #tpu.memory_space<smem>>, %arg3: memref<1x16384x128xf32, #tpu.memory_space<vmem>>, %arg4: memref<1x4096x128xf32, #tpu.memory_space<vmem>>, %arg5: memref<1x64x128xf32, #tpu.memory_space<vmem>>, %arg6: memref<1x16x128xf32, #tpu.memory_space<vmem>>, %arg7: memref<40x128xf32, #tpu.memory_space<vmem>>, %arg8: memref<1x16384xi32, #tpu.memory_space<vmem>>, %arg9: memref<16384x128xf32, #tpu.memory_space<vmem>>, %arg10: memref<2x16384xf32, #tpu.memory_space<vmem>>, %arg11: memref<2x128xf32, #tpu.memory_space<vmem>>) attributes {dimension_semantics = [#tpu.dimension_semantics<arbitrary>, #tpu.dimension_semantics<arbitrary>], iteration_bounds = array<i64: 16, 1>, scalar_prefetch = 1 : i64, scratch_operands = 0 : i64, tpu.core_type = #tpu.core_type<tc>, window_params = [{transform_indices = @transform_0, window_bounds = array<i64: 1, 16384, 128>}, {transform_indices = @transform_1, window_bounds = array<i64: 1, 4096, 128>}, {transform_indices = @transform_2, window_bounds = array<i64: 1, 64, 128>}, {transform_indices = @transform_3, window_bounds = array<i64: 1, 16, 128>}, {pipeline_mode = #tpu.pipeline_mode<synchronous>, transform_indices = @transform_4, window_bounds = array<i64: 40, 128>}, {pipeline_mode = #tpu.pipeline_mode<synchronous>, transform_indices = @transform_5, window_bounds = array<i64: 1, 16384>}, {pipeline_mode = #tpu.pipeline_mode<synchronous>, transform_indices = @transform_6, window_bounds = array<i64: 16384, 128>}, {pipeline_mode = #tpu.pipeline_mode<synchronous>, transform_indices = @transform_7, window_bounds = array<i64: 2, 16384>}, {pipeline_mode = #tpu.pipeline_mode<synchronous>, transform_indices = @transform_8, window_bounds = array<i64: 2, 128>}]} {
    %eq3A = arith.constant 0 : i32
    %eq3A_0 = arith.cmpi eq, %arg0, %eq3A : i32
    %eq3A_1 = arith.constant 0 : i32
    %eq3A_2 = arith.cmpi eq, %arg1, %eq3A_1 : i32
    %and3A = arith.andi %eq3A_0, %eq3A_2 : i1
    %convert_element_type3A = arith.extui %and3A : i1 to i32
    %cond3A = arith.constant 0 : i32
    %cond3A_3 = arith.cmpi ne, %convert_element_type3A, %cond3A : i32
    scf.if %cond3A_3 {
      %broadcast_in_dim3A = arith.constant 0.000000e+00 : f32
      %broadcast_in_dim3A_18 = vector.broadcast %broadcast_in_dim3A : f32 to vector<2x16384xf32>
      %swap3A = arith.constant 0 : index
      %swap3A_19 = arith.constant 0 : index
      %swap3A_20 = vector.load %arg10[%swap3A, %swap3A_19] : memref<2x16384xf32, #tpu.memory_space<vmem>>, vector<2x16384xf32>
      tpu.vector_store %arg10[%swap3A, %swap3A_19], %broadcast_in_dim3A_18 {strides = array<i32>} : memref<2x16384xf32, #tpu.memory_space<vmem>>, vector<2x16384xf32>,
    } else {
    }
    %mul3A = arith.constant 4096 : i32
    %mul3A_4 = arith.muli %arg1, %mul3A : i32
    %get3A = arith.index_cast %arg0 : i32 to index
    %get3A_5 = memref.load %arg2[%get3A] : memref<16xi32, #tpu.memory_space<smem>>
    %add3A = arith.constant 1 : i32
    %add3A_6 = arith.addi %mul3A_4, %add3A : i32
    %lt3A = arith.cmpi slt, %add3A_6, %get3A_5 : i32
    %convert_element_type3A_7 = arith.extui %lt3A : i1 to i32
    %cond3A_8 = arith.constant 0 : i32
    %cond3A_9 = arith.cmpi ne, %convert_element_type3A_7, %cond3A_8 : i32
    scf.if %cond3A_9 {
      %get3A_18 = arith.constant 0 : index
      %get3A_19 = arith.constant 0 : index
      %get3A_20 = arith.constant 0 : index
      %get3A_21 = vector.load %arg3[%get3A_18, %get3A_19, %get3A_20] : memref<1x16384x128xf32, #tpu.memory_space<vmem>>, vector<1x16384x128xf32>
      %get3A_22 = vector.shape_cast %get3A_21 : vector<1x16384x128xf32> to vector<16384x128xf32>
      %convert_element_type3A_23 = arith.truncf %get3A_22 : vector<16384x128xf32> to vector<16384x128xbf16>
      %get3A_24 = arith.constant 0 : index
      %get3A_25 = arith.constant 0 : index
      %get3A_26 = arith.constant 0 : index
      %get3A_27 = vector.load %arg4[%get3A_24, %get3A_25, %get3A_26] : memref<1x4096x128xf32, #tpu.memory_space<vmem>>, vector<1x4096x128xf32>
      %get3A_28 = vector.shape_cast %get3A_27 : vector<1x4096x128xf32> to vector<4096x128xf32>
      %get3A_29 = arith.constant 0 : index
      %get3A_30 = arith.constant 0 : index
      %get3A_31 = arith.constant 0 : index
      %get3A_32 = vector.load %arg5[%get3A_29, %get3A_30, %get3A_31] : memref<1x64x128xf32, #tpu.memory_space<vmem>>, vector<1x64x128xf32>
      %get3A_33 = vector.shape_cast %get3A_32 : vector<1x64x128xf32> to vector<64x128xf32>
      %concatenate3A = tpu.concatenate %get3A_28, %get3A_33 in 0 : vector<4096x128xf32>, vector<64x128xf32> -> vector<4160x128xf32>
      %convert_element_type3A_34 = arith.truncf %concatenate3A : vector<4160x128xf32> to vector<4160x128xbf16>
      %get3A_35 = arith.constant 0 : index
      %get3A_36 = arith.constant 0 : index
      %get3A_37 = arith.constant 0 : index
      %get3A_38 = vector.load %arg6[%get3A_35, %get3A_36, %get3A_37] : memref<1x16x128xf32, #tpu.memory_space<vmem>>, vector<1x16x128xf32>
      %get3A_39 = vector.shape_cast %get3A_38 : vector<1x16x128xf32> to vector<16x128xf32>
      %convert_element_type3A_40 = arith.truncf %get3A_39 : vector<16x128xf32> to vector<16x128xbf16>
      %transpose3A = tpu.transpose %convert_element_type3A_23, [1, 0] : vector<16384x128xbf16> -> vector<128x16384xbf16>
      %dot_general3A = arith.constant dense<0.000000e+00> : vector<16x16384xf32>
      %dot_general3A_41 = tpu.matmul %convert_element_type3A_40, %transpose3A, %dot_general3A {dimension_numbers = #tpu.dot_dimension_numbers<[1], [0], [0], [1], [0, 0, 1, 1], [], []>, transpose_lhs_hint = false} : vector<16x128xbf16>, vector<128x16384xbf16>, vector<16x16384xf32> -> vector<16x16384xf32>
      %get3A_42 = arith.constant 0 : index
      %get3A_43 = arith.constant 0 : index
      %get3A_44 = vector.load %arg7[%get3A_42, %get3A_43] : memref<40x128xf32, #tpu.memory_space<vmem>>, vector<40x128xf32>
      %slice3A = vector.extract_strided_slice %convert_element_type3A_34 {offsets = [0, 0], sizes = [40, 128], strides = [1, 1]} : vector<4160x128xbf16> to vector<40x128xbf16>
      %slice3A_45 = vector.extract_strided_slice %transpose3A {offsets = [0, 0], sizes = [128, 128], strides = [1, 1]} : vector<128x16384xbf16> to vector<128x128xbf16>
      %dot_general3A_46 = arith.constant dense<0.000000e+00> : vector<40x128xf32>
      %dot_general3A_47 = tpu.matmul %slice3A, %slice3A_45, %dot_general3A_46 {dimension_numbers = #tpu.dot_dimension_numbers<[1], [0], [0], [1], [0, 0, 1, 1], [], []>, transpose_lhs_hint = false} : vector<40x128xbf16>, vector<128x128xbf16>, vector<40x128xf32> -> vector<40x128xf32>
      %mul3A_48 = arith.mulf %dot_general3A_47, %get3A_44 : vector<40x128xf32>
      %reduce_sum3A = arith.constant dense<0.000000e+00> : vector<128xf32>
      %reduce_sum3A_49 = vector.multi_reduction <add>, %mul3A_48, %reduce_sum3A [0] : vector<40x128xf32> to vector<128xf32>
      %broadcast_in_dim3A = vector.shape_cast %reduce_sum3A_49 : vector<128xf32> to vector<1x128xf32>
      %slice3A_50 = vector.extract_strided_slice %convert_element_type3A_34 {offsets = [32, 0], sizes = [40, 128], strides = [1, 1]} : vector<4160x128xbf16> to vector<40x128xbf16>
      %slice3A_51 = vector.extract_strided_slice %transpose3A {offsets = [0, 128], sizes = [128, 128], strides = [1, 1]} : vector<128x16384xbf16> to vector<128x128xbf16>
      %dot_general3A_52 = arith.constant dense<0.000000e+00> : vector<40x128xf32>
      %dot_general3A_53 = tpu.matmul %slice3A_50, %slice3A_51, %dot_general3A_52 {dimension_numbers = #tpu.dot_dimension_numbers<[1], [0], [0], [1], [0, 0, 1, 1], [], []>, transpose_lhs_hint = false} : vector<40x128xbf16>, vector<128x128xbf16>, vector<40x128xf32> -> vector<40x128xf32>
      %mul3A_54 = arith.mulf %dot_general3A_53, %get3A_44 : vector<40x128xf32>
      %reduce_sum3A_55 = arith.constant dense<0.000000e+00> : vector<128xf32>
      %reduce_sum3A_56 = vector.multi_reduction <add>, %mul3A_54, %reduce_sum3A_55 [0] : vector<40x128xf32> to vector<128xf32>
      %broadcast_in_dim3A_57 = vector.shape_cast %reduce_sum3A_56 : vector<128xf32> to vector<1x128xf32>
      %slice3A_58 = vector.extract_strided_slice %convert_element_type3A_34 {offsets = [64, 0], sizes = [40, 128], strides = [1, 1]} : vector<4160x128xbf16> to vector<40x128xbf16>
      %slice3A_59 = vector.extract_strided_slice %transpose3A {offsets = [0, 256], sizes = [128, 128], strides = [1, 1]} : vector<128x16384xbf16> to vector<128x128xbf16>
      %dot_general3A_60 = arith.constant dense<0.000000e+00> : vector<40x128xf32>
      %dot_general3A_61 = tpu.matmul %slice3A_58, %slice3A_59, %dot_general3A_60 {dimension_numbers = #tpu.dot_dimension_numbers<[1], [0], [0], [1], [0, 0, 1, 1], [], []>, transpose_lhs_hint = false} : vector<40x128xbf16>, vector<128x128xbf16>, vector<40x128xf32> -> vector<40x128xf32>
      %mul3A_62 = arith.mulf %dot_general3A_61, %get3A_44 : vector<40x128xf32>
      %reduce_sum3A_63 = arith.constant dense<0.000000e+00> : vector<128xf32>
      %reduce_sum3A_64 = vector.multi_reduction <add>, %mul3A_62, %reduce_sum3A_63 [0] : vector<40x128xf32> to vector<128xf32>
      %broadcast_in_dim3A_65 = vector.shape_cast %reduce_sum3A_64 : vector<128xf32> to vector<1x128xf32>
      %slice3A_66 = vector.extract_strided_slice %convert_element_type3A_34 {offsets = [96, 0], sizes = [40, 128], strides = [1, 1]} : vector<4160x128xbf16> to vector<40x128xbf16>
      %slice3A_67 = vector.extract_strided_slice %transpose3A {offsets = [0, 384], sizes = [128, 128], strides = [1, 1]} : vector<128x16384xbf16> to vector<128x128xbf16>
      %dot_general3A_68 = arith.constant dense<0.000000e+00> : vector<40x128xf32>
      %dot_general3A_69 = tpu.matmul %slice3A_66, %slice3A_67, %dot_general3A_68 {dimension_numbers = #tpu.dot_dimension_numbers<[1], [0], [0], [1], [0, 0, 1, 1], [], []>, transpose_lhs_hint = false} : vector<40x128xbf16>, vector<128x128xbf16>, vector<40x128xf32> -> vector<40x128xf32>
      %mul3A_70 = arith.mulf %dot_general3A_69, %get3A_44 : vector<40x128xf32>
      %reduce_sum3A_71 = arith.constant dense<0.000000e+00> : vector<128xf32>
      %reduce_sum3A_72 = vector.multi_reduction <add>, %mul3A_70, %reduce_sum3A_71 [0] : vector<40x128xf32> to vector<128xf32>
      %broadcast_in_dim3A_73 = vector.shape_cast %reduce_sum3A_72 : vector<128xf32> to vector<1x128xf32>
      %slice3A_74 = vector.extract_strided_slice %convert_element_type3A_34 {offsets = [128, 0], sizes = [40, 128], strides = [1, 1]} : vector<4160x128xbf16> to vector<40x128xbf16>
      %slice3A_75 = vector.extract_strided_slice %transpose3A {offsets = [0, 512], sizes = [128, 128], strides = [1, 1]} : vector<128x16384xbf16> to vector<128x128xbf16>
      %dot_general3A_76 = arith.constant dense<0.000000e+00> : vector<40x128xf32>
      %dot_general3A_77 = tpu.matmul %slice3A_74, %slice3A_75, %dot_general3A_76 {dimension_numbers = #tpu.dot_dimension_numbers<[1], [0], [0], [1], [0, 0, 1, 1], [], []>, transpose_lhs_hint = false} : vector<40x128xbf16>, vector<128x128xbf16>, vector<40x128xf32> -> vector<40x128xf32>
      %mul3A_78 = arith.mulf %dot_general3A_77, %get3A_44 : vector<40x128xf32>
      %reduce_sum3A_79 = arith.constant dense<0.000000e+00> : vector<128xf32>
      %reduce_sum3A_80 = vector.multi_reduction <add>, %mul3A_78, %reduce_sum3A_79 [0] : vector<40x128xf32> to vector<128xf32>
      %broadcast_in_dim3A_81 = vector.shape_cast %reduce_sum3A_80 : vector<128xf32> to vector<1x128xf32>
      %slice3A_82 = vector.extract_strided_slice %convert_element_type3A_34 {offsets = [160, 0], sizes = [40, 128], strides = [1, 1]} : vector<4160x128xbf16> to vector<40x128xbf16>
      %slice3A_83 = vector.extract_strided_slice %transpose3A {offsets = [0, 640], sizes = [128, 128], strides = [1, 1]} : vector<128x16384xbf16> to vector<128x128xbf16>
      %dot_general3A_84 = arith.constant dense<0.000000e+00> : vector<40x128xf32>
      %dot_general3A_85 = tpu.matmul %slice3A_82, %slice3A_83, %dot_general3A_84 {dimension_numbers = #tpu.dot_dimension_numbers<[1], [0], [0], [1], [0, 0, 1, 1], [], []>, transpose_lhs_hint = false} : vector<40x128xbf16>, vector<128x128xbf16>, vector<40x128xf32> -> vector<40x128xf32>
      %mul3A_86 = arith.mulf %dot_general3A_85, %get3A_44 : vector<40x128xf32>
      %reduce_sum3A_87 = arith.constant dense<0.000000e+00> : vector<128xf32>
      %reduce_sum3A_88 = vector.multi_reduction <add>, %mul3A_86, %reduce_sum3A_87 [0] : vector<40x128xf32> to vector<128xf32>
      %broadcast_in_dim3A_89 = vector.shape_cast %reduce_sum3A_88 : vector<128xf32> to vector<1x128xf32>
      %slice3A_90 = vector.extract_strided_slice %convert_element_type3A_34 {offsets = [192, 0], sizes = [40, 128], strides = [1, 1]} : vector<4160x128xbf16> to vector<40x128xbf16>
      %slice3A_91 = vector.extract_strided_slice %transpose3A {offsets = [0, 768], sizes = [128, 128], strides = [1, 1]} : vector<128x16384xbf16> to vector<128x128xbf16>
      %dot_general3A_92 = arith.constant dense<0.000000e+00> : vector<40x128xf32>
      %dot_general3A_93 = tpu.matmul %slice3A_90, %slice3A_91, %dot_general3A_92 {dimension_numbers = #tpu.dot_dimension_numbers<[1], [0], [0], [1], [0, 0, 1, 1], [], []>, transpose_lhs_hint = false} : vector<40x128xbf16>, vector<128x128xbf16>, vector<40x128xf32> -> vector<40x128xf32>
      %mul3A_94 = arith.mulf %dot_general3A_93, %get3A_44 : vector<40x128xf32>
      %reduce_sum3A_95 = arith.constant dense<0.000000e+00> : vector<128xf32>
      %reduce_sum3A_96 = vector.multi_reduction <add>, %mul3A_94, %reduce_sum3A_95 [0] : vector<40x128xf32> to vector<128xf32>
      %broadcast_in_dim3A_97 = vector.shape_cast %reduce_sum3A_96 : vector<128xf32> to vector<1x128xf32>
      %slice3A_98 = vector.extract_strided_slice %convert_element_type3A_34 {offsets = [224, 0], sizes = [40, 128], strides = [1, 1]} : vector<4160x128xbf16> to vector<40x128xbf16>
      %slice3A_99 = vector.extract_strided_slice %transpose3A {offsets = [0, 896], sizes = [128, 128], strides = [1, 1]} : vector<128x16384xbf16> to vector<128x128xbf16>
      %dot_general3A_100 = arith.constant dense<0.000000e+00> : vector<40x128xf32>
      %dot_general3A_101 = tpu.matmul %slice3A_98, %slice3A_99, %dot_general3A_100 {dimension_numbers = #tpu.dot_dimension_numbers<[1], [0], [0], [1], [0, 0, 1, 1], [], []>, transpose_lhs_hint = false} : vector<40x128xbf16>, vector<128x128xbf16>, vector<40x128xf32> -> vector<40x128xf32>
      %mul3A_102 = arith.mulf %dot_general3A_101, %get3A_44 : vector<40x128xf32>
      %reduce_sum3A_103 = arith.constant dense<0.000000e+00> : vector<128xf32>
      %reduce_sum3A_104 = vector.multi_reduction <add>, %mul3A_102, %reduce_sum3A_103 [0] : vector<40x128xf32> to vector<128xf32>
      %broadcast_in_dim3A_105 = vector.shape_cast %reduce_sum3A_104 : vector<128xf32> to vector<1x128xf32>
      %slice3A_106 = vector.extract_strided_slice %convert_element_type3A_34 {offsets = [256, 0], sizes = [40, 128], strides = [1, 1]} : vector<4160x128xbf16> to vector<40x128xbf16>
      %slice3A_107 = vector.extract_strided_slice %transpose3A {offsets = [0, 1024], sizes = [128, 128], strides = [1, 1]} : vector<128x16384xbf16> to vector<128x128xbf16>
      %dot_general3A_108 = arith.constant dense<0.000000e+00> : vector<40x128xf32>
      %dot_general3A_109 = tpu.matmul %slice3A_106, %slice3A_107, %dot_general3A_108 {dimension_numbers = #tpu.dot_dimension_numbers<[1], [0], [0], [1], [0, 0, 1, 1], [], []>, transpose_lhs_hint = false} : vector<40x128xbf16>, vector<128x128xbf16>, vector<40x128xf32> -> vector<40x128xf32>
      %mul3A_110 = arith.mulf %dot_general3A_109, %get3A_44 : vector<40x128xf32>
      %reduce_sum3A_111 = arith.constant dense<0.000000e+00> : vector<128xf32>
      %reduce_sum3A_112 = vector.multi_reduction <add>, %mul3A_110, %reduce_sum3A_111 [0] : vector<40x128xf32> to vector<128xf32>
      %broadcast_in_dim3A_113 = vector.shape_cast %reduce_sum3A_112 : vector<128xf32> to vector<1x128xf32>
      %slice3A_114 = vector.extract_strided_slice %convert_element_type3A_34 {offsets = [288, 0], sizes = [40, 128], strides = [1, 1]} : vector<4160x128xbf16> to vector<40x128xbf16>
      %slice3A_115 = vector.extract_strided_slice %transpose3A {offsets = [0, 1152], sizes = [128, 128], strides = [1, 1]} : vector<128x16384xbf16> to vector<128x128xbf16>
      %dot_general3A_116 = arith.constant dense<0.000000e+00> : vector<40x128xf32>
      %dot_general3A_117 = tpu.matmul %slice3A_114, %slice3A_115, %dot_general3A_116 {dimension_numbers = #tpu.dot_dimension_numbers<[1], [0], [0], [1], [0, 0, 1, 1], [], []>, transpose_lhs_hint = false} : vector<40x128xbf16>, vector<128x128xbf16>, vector<40x128xf32> -> vector<40x128xf32>
      %mul3A_118 = arith.mulf %dot_general3A_117, %get3A_44 : vector<40x128xf32>
      %reduce_sum3A_119 = arith.constant dense<0.000000e+00> : vector<128xf32>
      %reduce_sum3A_120 = vector.multi_reduction <add>, %mul3A_118, %reduce_sum3A_119 [0] : vector<40x128xf32> to vector<128xf32>
      %broadcast_in_dim3A_121 = vector.shape_cast %reduce_sum3A_120 : vector<128xf32> to vector<1x128xf32>
      %slice3A_122 = vector.extract_strided_slice %convert_element_type3A_34 {offsets = [320, 0], sizes = [40, 128], strides = [1, 1]} : vector<4160x128xbf16> to vector<40x128xbf16>
      %slice3A_123 = vector.extract_strided_slice %transpose3A {offsets = [0, 1280], sizes = [128, 128], strides = [1, 1]} : vector<128x16384xbf16> to vector<128x128xbf16>
      %dot_general3A_124 = arith.constant dense<0.000000e+00> : vector<40x128xf32>
      %dot_general3A_125 = tpu.matmul %slice3A_122, %slice3A_123, %dot_general3A_124 {dimension_numbers = #tpu.dot_dimension_numbers<[1], [0], [0], [1], [0, 0, 1, 1], [], []>, transpose_lhs_hint = false} : vector<40x128xbf16>, vector<128x128xbf16>, vector<40x128xf32> -> vector<40x128xf32>
      %mul3A_126 = arith.mulf %dot_general3A_125, %get3A_44 : vector<40x128xf32>
      %reduce_sum3A_127 = arith.constant dense<0.000000e+00> : vector<128xf32>
      %reduce_sum3A_128 = vector.multi_reduction <add>, %mul3A_126, %reduce_sum3A_127 [0] : vector<40x128xf32> to vector<128xf32>
      %broadcast_in_dim3A_129 = vector.shape_cast %reduce_sum3A_128 : vector<128xf32> to vector<1x128xf32>
      %slice3A_130 = vector.extract_strided_slice %convert_element_type3A_34 {offsets = [352, 0], sizes = [40, 128], strides = [1, 1]} : vector<4160x128xbf16> to vector<40x128xbf16>
      %slice3A_131 = vector.extract_strided_slice %transpose3A {offsets = [0, 1408], sizes = [128, 128], strides = [1, 1]} : vector<128x16384xbf16> to vector<128x128xbf16>
      %dot_general3A_132 = arith.constant dense<0.000000e+00> : vector<40x128xf32>
      %dot_general3A_133 = tpu.matmul %slice3A_130, %slice3A_131, %dot_general3A_132 {dimension_numbers = #tpu.dot_dimension_numbers<[1], [0], [0], [1], [0, 0, 1, 1], [], []>, transpose_lhs_hint = false} : vector<40x128xbf16>, vector<128x128xbf16>, vector<40x128xf32> -> vector<40x128xf32>
      %mul3A_134 = arith.mulf %dot_general3A_133, %get3A_44 : vector<40x128xf32>
      %reduce_sum3A_135 = arith.constant dense<0.000000e+00> : vector<128xf32>
      %reduce_sum3A_136 = vector.multi_reduction <add>, %mul3A_134, %reduce_sum3A_135 [0] : vector<40x128xf32> to vector<128xf32>
      %broadcast_in_dim3A_137 = vector.shape_cast %reduce_sum3A_136 : vector<128xf32> to vector<1x128xf32>
      %slice3A_138 = vector.extract_strided_slice %convert_element_type3A_34 {offsets = [384, 0], sizes = [40, 128], strides = [1, 1]} : vector<4160x128xbf16> to vector<40x128xbf16>
      %slice3A_139 = vector.extract_strided_slice %transpose3A {offsets = [0, 1536], sizes = [128, 128], strides = [1, 1]} : vector<128x16384xbf16> to vector<128x128xbf16>
      %dot_general3A_140 = arith.constant dense<0.000000e+00> : vector<40x128xf32>
      %dot_general3A_141 = tpu.matmul %slice3A_138, %slice3A_139, %dot_general3A_140 {dimension_numbers = #tpu.dot_dimension_numbers<[1], [0], [0], [1], [0, 0, 1, 1], [], []>, transpose_lhs_hint = false} : vector<40x128xbf16>, vector<128x128xbf16>, vector<40x128xf32> -> vector<40x128xf32>
      %mul3A_142 = arith.mulf %dot_general3A_141, %get3A_44 : vector<40x128xf32>
      %reduce_sum3A_143 = arith.constant dense<0.000000e+00> : vector<128xf32>
      %reduce_sum3A_144 = vector.multi_reduction <add>, %mul3A_142, %reduce_sum3A_143 [0] : vector<40x128xf32> to vector<128xf32>
      %broadcast_in_dim3A_145 = vector.shape_cast %reduce_sum3A_144 : vector<128xf32> to vector<1x128xf32>
      %slice3A_146 = vector.extract_strided_slice %convert_element_type3A_34 {offsets = [416, 0], sizes = [40, 128], strides = [1, 1]} : vector<4160x128xbf16> to vector<40x128xbf16>
      %slice3A_147 = vector.extract_strided_slice %transpose3A {offsets = [0, 1664], sizes = [128, 128], strides = [1, 1]} : vector<128x16384xbf16> to vector<128x128xbf16>
      %dot_general3A_148 = arith.constant dense<0.000000e+00> : vector<40x128xf32>
      %dot_general3A_149 = tpu.matmul %slice3A_146, %slice3A_147, %dot_general3A_148 {dimension_numbers = #tpu.dot_dimension_numbers<[1], [0], [0], [1], [0, 0, 1, 1], [], []>, transpose_lhs_hint = false} : vector<40x128xbf16>, vector<128x128xbf16>, vector<40x128xf32> -> vector<40x128xf32>
      %mul3A_150 = arith.mulf %dot_general3A_149, %get3A_44 : vector<40x128xf32>
      %reduce_sum3A_151 = arith.constant dense<0.000000e+00> : vector<128xf32>
      %reduce_sum3A_152 = vector.multi_reduction <add>, %mul3A_150, %reduce_sum3A_151 [0] : vector<40x128xf32> to vector<128xf32>
      %broadcast_in_dim3A_153 = vector.shape_cast %reduce_sum3A_152 : vector<128xf32> to vector<1x128xf32>
      %slice3A_154 = vector.extract_strided_slice %convert_element_type3A_34 {offsets = [448, 0], sizes = [40, 128], strides = [1, 1]} : vector<4160x128xbf16> to vector<40x128xbf16>
      %slice3A_155 = vector.extract_strided_slice %transpose3A {offsets = [0, 1792], sizes = [128, 128], strides = [1, 1]} : vector<128x16384xbf16> to vector<128x128xbf16>
      %dot_general3A_156 = arith.constant dense<0.000000e+00> : vector<40x128xf32>
      %dot_general3A_157 = tpu.matmul %slice3A_154, %slice3A_155, %dot_general3A_156 {dimension_numbers = #tpu.dot_dimension_numbers<[1], [0], [0], [1], [0, 0, 1, 1], [], []>, transpose_lhs_hint = false} : vector<40x128xbf16>, vector<128x128xbf16>, vector<40x128xf32> -> vector<40x128xf32>
      %mul3A_158 = arith.mulf %dot_general3A_157, %get3A_44 : vector<40x128xf32>
      %reduce_sum3A_159 = arith.constant dense<0.000000e+00> : vector<128xf32>
      %reduce_sum3A_160 = vector.multi_reduction <add>, %mul3A_158, %reduce_sum3A_159 [0] : vector<40x128xf32> to vector<128xf32>
      %broadcast_in_dim3A_161 = vector.shape_cast %reduce_sum3A_160 : vector<128xf32> to vector<1x128xf32>
      %slice3A_162 = vector.extract_strided_slice %convert_element_type3A_34 {offsets = [480, 0], sizes = [40, 128], strides = [1, 1]} : vector<4160x128xbf16> to vector<40x128xbf16>
      %slice3A_163 = vector.extract_strided_slice %transpose3A {offsets = [0, 1920], sizes = [128, 128], strides = [1, 1]} : vector<128x16384xbf16> to vector<128x128xbf16>
      %dot_general3A_164 = arith.constant dense<0.000000e+00> : vector<40x128xf32>
      %dot_general3A_165 = tpu.matmul %slice3A_162, %slice3A_163, %dot_general3A_164 {dimension_numbers = #tpu.dot_dimension_numbers<[1], [0], [0], [1], [0, 0, 1, 1], [], []>, transpose_lhs_hint = false} : vector<40x128xbf16>, vector<128x128xbf16>, vector<40x128xf32> -> vector<40x128xf32>
      %mul3A_166 = arith.mulf %dot_general3A_165, %get3A_44 : vector<40x128xf32>
      %reduce_sum3A_167 = arith.constant dense<0.000000e+00> : vector<128xf32>
      %reduce_sum3A_168 = vector.multi_reduction <add>, %mul3A_166, %reduce_sum3A_167 [0] : vector<40x128xf32> to vector<128xf32>
      %broadcast_in_dim3A_169 = vector.shape_cast %reduce_sum3A_168 : vector<128xf32> to vector<1x128xf32>
      %slice3A_170 = vector.extract_strided_slice %convert_element_type3A_34 {offsets = [512, 0], sizes = [40, 128], strides = [1, 1]} : vector<4160x128xbf16> to vector<40x128xbf16>
      %slice3A_171 = vector.extract_strided_slice %transpose3A {offsets = [0, 2048], sizes = [128, 128], strides = [1, 1]} : vector<128x16384xbf16> to vector<128x128xbf16>
      %dot_general3A_172 = arith.constant dense<0.000000e+00> : vector<40x128xf32>
      %dot_general3A_173 = tpu.matmul %slice3A_170, %slice3A_171, %dot_general3A_172 {dimension_numbers = #tpu.dot_dimension_numbers<[1], [0], [0], [1], [0, 0, 1, 1], [], []>, transpose_lhs_hint = false} : vector<40x128xbf16>, vector<128x128xbf16>, vector<40x128xf32> -> vector<40x128xf32>
      %mul3A_174 = arith.mulf %dot_general3A_173, %get3A_44 : vector<40x128xf32>
      %reduce_sum3A_175 = arith.constant dense<0.000000e+00> : vector<128xf32>
      %reduce_sum3A_176 = vector.multi_reduction <add>, %mul3A_174, %reduce_sum3A_175 [0] : vector<40x128xf32> to vector<128xf32>
      %broadcast_in_dim3A_177 = vector.shape_cast %reduce_sum3A_176 : vector<128xf32> to vector<1x128xf32>
      %slice3A_178 = vector.extract_strided_slice %convert_element_type3A_34 {offsets = [544, 0], sizes = [40, 128], strides = [1, 1]} : vector<4160x128xbf16> to vector<40x128xbf16>
      %slice3A_179 = vector.extract_strided_slice %transpose3A {offsets = [0, 2176], sizes = [128, 128], strides = [1, 1]} : vector<128x16384xbf16> to vector<128x128xbf16>
      %dot_general3A_180 = arith.constant dense<0.000000e+00> : vector<40x128xf32>
      %dot_general3A_181 = tpu.matmul %slice3A_178, %slice3A_179, %dot_general3A_180 {dimension_numbers = #tpu.dot_dimension_numbers<[1], [0], [0], [1], [0, 0, 1, 1], [], []>, transpose_lhs_hint = false} : vector<40x128xbf16>, vector<128x128xbf16>, vector<40x128xf32> -> vector<40x128xf32>
      %mul3A_182 = arith.mulf %dot_general3A_181, %get3A_44 : vector<40x128xf32>
      %reduce_sum3A_183 = arith.constant dense<0.000000e+00> : vector<128xf32>
      %reduce_sum3A_184 = vector.multi_reduction <add>, %mul3A_182, %reduce_sum3A_183 [0] : vector<40x128xf32> to vector<128xf32>
      %broadcast_in_dim3A_185 = vector.shape_cast %reduce_sum3A_184 : vector<128xf32> to vector<1x128xf32>
      %slice3A_186 = vector.extract_strided_slice %convert_element_type3A_34 {offsets = [576, 0], sizes = [40, 128], strides = [1, 1]} : vector<4160x128xbf16> to vector<40x128xbf16>
      %slice3A_187 = vector.extract_strided_slice %transpose3A {offsets = [0, 2304], sizes = [128, 128], strides = [1, 1]} : vector<128x16384xbf16> to vector<128x128xbf16>
      %dot_general3A_188 = arith.constant dense<0.000000e+00> : vector<40x128xf32>
      %dot_general3A_189 = tpu.matmul %slice3A_186, %slice3A_187, %dot_general3A_188 {dimension_numbers = #tpu.dot_dimension_numbers<[1], [0], [0], [1], [0, 0, 1, 1], [], []>, transpose_lhs_hint = false} : vector<40x128xbf16>, vector<128x128xbf16>, vector<40x128xf32> -> vector<40x128xf32>
      %mul3A_190 = arith.mulf %dot_general3A_189, %get3A_44 : vector<40x128xf32>
      %reduce_sum3A_191 = arith.constant dense<0.000000e+00> : vector<128xf32>
      %reduce_sum3A_192 = vector.multi_reduction <add>, %mul3A_190, %reduce_sum3A_191 [0] : vector<40x128xf32> to vector<128xf32>
      %broadcast_in_dim3A_193 = vector.shape_cast %reduce_sum3A_192 : vector<128xf32> to vector<1x128xf32>
      %slice3A_194 = vector.extract_strided_slice %convert_element_type3A_34 {offsets = [608, 0], sizes = [40, 128], strides = [1, 1]} : vector<4160x128xbf16> to vector<40x128xbf16>
      %slice3A_195 = vector.extract_strided_slice %transpose3A {offsets = [0, 2432], sizes = [128, 128], strides = [1, 1]} : vector<128x16384xbf16> to vector<128x128xbf16>
      %dot_general3A_196 = arith.constant dense<0.000000e+00> : vector<40x128xf32>
      %dot_general3A_197 = tpu.matmul %slice3A_194, %slice3A_195, %dot_general3A_196 {dimension_numbers = #tpu.dot_dimension_numbers<[1], [0], [0], [1], [0, 0, 1, 1], [], []>, transpose_lhs_hint = false} : vector<40x128xbf16>, vector<128x128xbf16>, vector<40x128xf32> -> vector<40x128xf32>
      %mul3A_198 = arith.mulf %dot_general3A_197, %get3A_44 : vector<40x128xf32>
      %reduce_sum3A_199 = arith.constant dense<0.000000e+00> : vector<128xf32>
      %reduce_sum3A_200 = vector.multi_reduction <add>, %mul3A_198, %reduce_sum3A_199 [0] : vector<40x128xf32> to vector<128xf32>
      %broadcast_in_dim3A_201 = vector.shape_cast %reduce_sum3A_200 : vector<128xf32> to vector<1x128xf32>
      %slice3A_202 = vector.extract_strided_slice %convert_element_type3A_34 {offsets = [640, 0], sizes = [40, 128], strides = [1, 1]} : vector<4160x128xbf16> to vector<40x128xbf16>
      %slice3A_203 = vector.extract_strided_slice %transpose3A {offsets = [0, 2560], sizes = [128, 128], strides = [1, 1]} : vector<128x16384xbf16> to vector<128x128xbf16>
      %dot_general3A_204 = arith.constant dense<0.000000e+00> : vector<40x128xf32>
      %dot_general3A_205 = tpu.matmul %slice3A_202, %slice3A_203, %dot_general3A_204 {dimension_numbers = #tpu.dot_dimension_numbers<[1], [0], [0], [1], [0, 0, 1, 1], [], []>, transpose_lhs_hint = false} : vector<40x128xbf16>, vector<128x128xbf16>, vector<40x128xf32> -> vector<40x128xf32>
      %mul3A_206 = arith.mulf %dot_general3A_205, %get3A_44 : vector<40x128xf32>
      %reduce_sum3A_207 = arith.constant dense<0.000000e+00> : vector<128xf32>
      %reduce_sum3A_208 = vector.multi_reduction <add>, %mul3A_206, %reduce_sum3A_207 [0] : vector<40x128xf32> to vector<128xf32>
      %broadcast_in_dim3A_209 = vector.shape_cast %reduce_sum3A_208 : vector<128xf32> to vector<1x128xf32>
      %slice3A_210 = vector.extract_strided_slice %convert_element_type3A_34 {offsets = [672, 0], sizes = [40, 128], strides = [1, 1]} : vector<4160x128xbf16> to vector<40x128xbf16>
      %slice3A_211 = vector.extract_strided_slice %transpose3A {offsets = [0, 2688], sizes = [128, 128], strides = [1, 1]} : vector<128x16384xbf16> to vector<128x128xbf16>
      %dot_general3A_212 = arith.constant dense<0.000000e+00> : vector<40x128xf32>
      %dot_general3A_213 = tpu.matmul %slice3A_210, %slice3A_211, %dot_general3A_212 {dimension_numbers = #tpu.dot_dimension_numbers<[1], [0], [0], [1], [0, 0, 1, 1], [], []>, transpose_lhs_hint = false} : vector<40x128xbf16>, vector<128x128xbf16>, vector<40x128xf32> -> vector<40x128xf32>
      %mul3A_214 = arith.mulf %dot_general3A_213, %get3A_44 : vector<40x128xf32>
      %reduce_sum3A_215 = arith.constant dense<0.000000e+00> : vector<128xf32>
      %reduce_sum3A_216 = vector.multi_reduction <add>, %mul3A_214, %reduce_sum3A_215 [0] : vector<40x128xf32> to vector<128xf32>
      %broadcast_in_dim3A_217 = vector.shape_cast %reduce_sum3A_216 : vector<128xf32> to vector<1x128xf32>
      %slice3A_218 = vector.extract_strided_slice %convert_element_type3A_34 {offsets = [704, 0], sizes = [40, 128], strides = [1, 1]} : vector<4160x128xbf16> to vector<40x128xbf16>
      %slice3A_219 = vector.extract_strided_slice %transpose3A {offsets = [0, 2816], sizes = [128, 128], strides = [1, 1]} : vector<128x16384xbf16> to vector<128x128xbf16>
      %dot_general3A_220 = arith.constant dense<0.000000e+00> : vector<40x128xf32>
      %dot_general3A_221 = tpu.matmul %slice3A_218, %slice3A_219, %dot_general3A_220 {dimension_numbers = #tpu.dot_dimension_numbers<[1], [0], [0], [1], [0, 0, 1, 1], [], []>, transpose_lhs_hint = false} : vector<40x128xbf16>, vector<128x128xbf16>, vector<40x128xf32> -> vector<40x128xf32>
      %mul3A_222 = arith.mulf %dot_general3A_221, %get3A_44 : vector<40x128xf32>
      %reduce_sum3A_223 = arith.constant dense<0.000000e+00> : vector<128xf32>
      %reduce_sum3A_224 = vector.multi_reduction <add>, %mul3A_222, %reduce_sum3A_223 [0] : vector<40x128xf32> to vector<128xf32>
      %broadcast_in_dim3A_225 = vector.shape_cast %reduce_sum3A_224 : vector<128xf32> to vector<1x128xf32>
      %slice3A_226 = vector.extract_strided_slice %convert_element_type3A_34 {offsets = [736, 0], sizes = [40, 128], strides = [1, 1]} : vector<4160x128xbf16> to vector<40x128xbf16>
      %slice3A_227 = vector.extract_strided_slice %transpose3A {offsets = [0, 2944], sizes = [128, 128], strides = [1, 1]} : vector<128x16384xbf16> to vector<128x128xbf16>
      %dot_general3A_228 = arith.constant dense<0.000000e+00> : vector<40x128xf32>
      %dot_general3A_229 = tpu.matmul %slice3A_226, %slice3A_227, %dot_general3A_228 {dimension_numbers = #tpu.dot_dimension_numbers<[1], [0], [0], [1], [0, 0, 1, 1], [], []>, transpose_lhs_hint = false} : vector<40x128xbf16>, vector<128x128xbf16>, vector<40x128xf32> -> vector<40x128xf32>
      %mul3A_230 = arith.mulf %dot_general3A_229, %get3A_44 : vector<40x128xf32>
      %reduce_sum3A_231 = arith.constant dense<0.000000e+00> : vector<128xf32>
      %reduce_sum3A_232 = vector.multi_reduction <add>, %mul3A_230, %reduce_sum3A_231 [0] : vector<40x128xf32> to vector<128xf32>
      %broadcast_in_dim3A_233 = vector.shape_cast %reduce_sum3A_232 : vector<128xf32> to vector<1x128xf32>
      %slice3A_234 = vector.extract_strided_slice %convert_element_type3A_34 {offsets = [768, 0], sizes = [40, 128], strides = [1, 1]} : vector<4160x128xbf16> to vector<40x128xbf16>
      %slice3A_235 = vector.extract_strided_slice %transpose3A {offsets = [0, 3072], sizes = [128, 128], strides = [1, 1]} : vector<128x16384xbf16> to vector<128x128xbf16>
      %dot_general3A_236 = arith.constant dense<0.000000e+00> : vector<40x128xf32>
      %dot_general3A_237 = tpu.matmul %slice3A_234, %slice3A_235, %dot_general3A_236 {dimension_numbers = #tpu.dot_dimension_numbers<[1], [0], [0], [1], [0, 0, 1, 1], [], []>, transpose_lhs_hint = false} : vector<40x128xbf16>, vector<128x128xbf16>, vector<40x128xf32> -> vector<40x128xf32>
      %mul3A_238 = arith.mulf %dot_general3A_237, %get3A_44 : vector<40x128xf32>
      %reduce_sum3A_239 = arith.constant dense<0.000000e+00> : vector<128xf32>
      %reduce_sum3A_240 = vector.multi_reduction <add>, %mul3A_238, %reduce_sum3A_239 [0] : vector<40x128xf32> to vector<128xf32>
      %broadcast_in_dim3A_241 = vector.shape_cast %reduce_sum3A_240 : vector<128xf32> to vector<1x128xf32>
      %slice3A_242 = vector.extract_strided_slice %convert_element_type3A_34 {offsets = [800, 0], sizes = [40, 128], strides = [1, 1]} : vector<4160x128xbf16> to vector<40x128xbf16>
      %slice3A_243 = vector.extract_strided_slice %transpose3A {offsets = [0, 3200], sizes = [128, 128], strides = [1, 1]} : vector<128x16384xbf16> to vector<128x128xbf16>
      %dot_general3A_244 = arith.constant dense<0.000000e+00> : vector<40x128xf32>
      %dot_general3A_245 = tpu.matmul %slice3A_242, %slice3A_243, %dot_general3A_244 {dimension_numbers = #tpu.dot_dimension_numbers<[1], [0], [0], [1], [0, 0, 1, 1], [], []>, transpose_lhs_hint = false} : vector<40x128xbf16>, vector<128x128xbf16>, vector<40x128xf32> -> vector<40x128xf32>
      %mul3A_246 = arith.mulf %dot_general3A_245, %get3A_44 : vector<40x128xf32>
      %reduce_sum3A_247 = arith.constant dense<0.000000e+00> : vector<128xf32>
      %reduce_sum3A_248 = vector.multi_reduction <add>, %mul3A_246, %reduce_sum3A_247 [0] : vector<40x128xf32> to vector<128xf32>
      %broadcast_in_dim3A_249 = vector.shape_cast %reduce_sum3A_248 : vector<128xf32> to vector<1x128xf32>
      %slice3A_250 = vector.extract_strided_slice %convert_element_type3A_34 {offsets = [832, 0], sizes = [40, 128], strides = [1, 1]} : vector<4160x128xbf16> to vector<40x128xbf16>
      %slice3A_251 = vector.extract_strided_slice %transpose3A {offsets = [0, 3328], sizes = [128, 128], strides = [1, 1]} : vector<128x16384xbf16> to vector<128x128xbf16>
      %dot_general3A_252 = arith.constant dense<0.000000e+00> : vector<40x128xf32>
      %dot_general3A_253 = tpu.matmul %slice3A_250, %slice3A_251, %dot_general3A_252 {dimension_numbers = #tpu.dot_dimension_numbers<[1], [0], [0], [1], [0, 0, 1, 1], [], []>, transpose_lhs_hint = false} : vector<40x128xbf16>, vector<128x128xbf16>, vector<40x128xf32> -> vector<40x128xf32>
      %mul3A_254 = arith.mulf %dot_general3A_253, %get3A_44 : vector<40x128xf32>
      %reduce_sum3A_255 = arith.constant dense<0.000000e+00> : vector<128xf32>
      %reduce_sum3A_256 = vector.multi_reduction <add>, %mul3A_254, %reduce_sum3A_255 [0] : vector<40x128xf32> to vector<128xf32>
      %broadcast_in_dim3A_257 = vector.shape_cast %reduce_sum3A_256 : vector<128xf32> to vector<1x128xf32>
      %slice3A_258 = vector.extract_strided_slice %convert_element_type3A_34 {offsets = [864, 0], sizes = [40, 128], strides = [1, 1]} : vector<4160x128xbf16> to vector<40x128xbf16>
      %slice3A_259 = vector.extract_strided_slice %transpose3A {offsets = [0, 3456], sizes = [128, 128], strides = [1, 1]} : vector<128x16384xbf16> to vector<128x128xbf16>
      %dot_general3A_260 = arith.constant dense<0.000000e+00> : vector<40x128xf32>
      %dot_general3A_261 = tpu.matmul %slice3A_258, %slice3A_259, %dot_general3A_260 {dimension_numbers = #tpu.dot_dimension_numbers<[1], [0], [0], [1], [0, 0, 1, 1], [], []>, transpose_lhs_hint = false} : vector<40x128xbf16>, vector<128x128xbf16>, vector<40x128xf32> -> vector<40x128xf32>
      %mul3A_262 = arith.mulf %dot_general3A_261, %get3A_44 : vector<40x128xf32>
      %reduce_sum3A_263 = arith.constant dense<0.000000e+00> : vector<128xf32>
      %reduce_sum3A_264 = vector.multi_reduction <add>, %mul3A_262, %reduce_sum3A_263 [0] : vector<40x128xf32> to vector<128xf32>
      %broadcast_in_dim3A_265 = vector.shape_cast %reduce_sum3A_264 : vector<128xf32> to vector<1x128xf32>
      %slice3A_266 = vector.extract_strided_slice %convert_element_type3A_34 {offsets = [896, 0], sizes = [40, 128], strides = [1, 1]} : vector<4160x128xbf16> to vector<40x128xbf16>
      %slice3A_267 = vector.extract_strided_slice %transpose3A {offsets = [0, 3584], sizes = [128, 128], strides = [1, 1]} : vector<128x16384xbf16> to vector<128x128xbf16>
      %dot_general3A_268 = arith.constant dense<0.000000e+00> : vector<40x128xf32>
      %dot_general3A_269 = tpu.matmul %slice3A_266, %slice3A_267, %dot_general3A_268 {dimension_numbers = #tpu.dot_dimension_numbers<[1], [0], [0], [1], [0, 0, 1, 1], [], []>, transpose_lhs_hint = false} : vector<40x128xbf16>, vector<128x128xbf16>, vector<40x128xf32> -> vector<40x128xf32>
      %mul3A_270 = arith.mulf %dot_general3A_269, %get3A_44 : vector<40x128xf32>
      %reduce_sum3A_271 = arith.constant dense<0.000000e+00> : vector<128xf32>
      %reduce_sum3A_272 = vector.multi_reduction <add>, %mul3A_270, %reduce_sum3A_271 [0] : vector<40x128xf32> to vector<128xf32>
      %broadcast_in_dim3A_273 = vector.shape_cast %reduce_sum3A_272 : vector<128xf32> to vector<1x128xf32>
      %slice3A_274 = vector.extract_strided_slice %convert_element_type3A_34 {offsets = [928, 0], sizes = [40, 128], strides = [1, 1]} : vector<4160x128xbf16> to vector<40x128xbf16>
      %slice3A_275 = vector.extract_strided_slice %transpose3A {offsets = [0, 3712], sizes = [128, 128], strides = [1, 1]} : vector<128x16384xbf16> to vector<128x128xbf16>
      %dot_general3A_276 = arith.constant dense<0.000000e+00> : vector<40x128xf32>
      %dot_general3A_277 = tpu.matmul %slice3A_274, %slice3A_275, %dot_general3A_276 {dimension_numbers = #tpu.dot_dimension_numbers<[1], [0], [0], [1], [0, 0, 1, 1], [], []>, transpose_lhs_hint = false} : vector<40x128xbf16>, vector<128x128xbf16>, vector<40x128xf32> -> vector<40x128xf32>
      %mul3A_278 = arith.mulf %dot_general3A_277, %get3A_44 : vector<40x128xf32>
      %reduce_sum3A_279 = arith.constant dense<0.000000e+00> : vector<128xf32>
      %reduce_sum3A_280 = vector.multi_reduction <add>, %mul3A_278, %reduce_sum3A_279 [0] : vector<40x128xf32> to vector<128xf32>
      %broadcast_in_dim3A_281 = vector.shape_cast %reduce_sum3A_280 : vector<128xf32> to vector<1x128xf32>
      %slice3A_282 = vector.extract_strided_slice %convert_element_type3A_34 {offsets = [960, 0], sizes = [40, 128], strides = [1, 1]} : vector<4160x128xbf16> to vector<40x128xbf16>
      %slice3A_283 = vector.extract_strided_slice %transpose3A {offsets = [0, 3840], sizes = [128, 128], strides = [1, 1]} : vector<128x16384xbf16> to vector<128x128xbf16>
      %dot_general3A_284 = arith.constant dense<0.000000e+00> : vector<40x128xf32>
      %dot_general3A_285 = tpu.matmul %slice3A_282, %slice3A_283, %dot_general3A_284 {dimension_numbers = #tpu.dot_dimension_numbers<[1], [0], [0], [1], [0, 0, 1, 1], [], []>, transpose_lhs_hint = false} : vector<40x128xbf16>, vector<128x128xbf16>, vector<40x128xf32> -> vector<40x128xf32>
      %mul3A_286 = arith.mulf %dot_general3A_285, %get3A_44 : vector<40x128xf32>
      %reduce_sum3A_287 = arith.constant dense<0.000000e+00> : vector<128xf32>
      %reduce_sum3A_288 = vector.multi_reduction <add>, %mul3A_286, %reduce_sum3A_287 [0] : vector<40x128xf32> to vector<128xf32>
      %broadcast_in_dim3A_289 = vector.shape_cast %reduce_sum3A_288 : vector<128xf32> to vector<1x128xf32>
      %slice3A_290 = vector.extract_strided_slice %convert_element_type3A_34 {offsets = [992, 0], sizes = [40, 128], strides = [1, 1]} : vector<4160x128xbf16> to vector<40x128xbf16>
      %slice3A_291 = vector.extract_strided_slice %transpose3A {offsets = [0, 3968], sizes = [128, 128], strides = [1, 1]} : vector<128x16384xbf16> to vector<128x128xbf16>
      %dot_general3A_292 = arith.constant dense<0.000000e+00> : vector<40x128xf32>
      %dot_general3A_293 = tpu.matmul %slice3A_290, %slice3A_291, %dot_general3A_292 {dimension_numbers = #tpu.dot_dimension_numbers<[1], [0], [0], [1], [0, 0, 1, 1], [], []>, transpose_lhs_hint = false} : vector<40x128xbf16>, vector<128x128xbf16>, vector<40x128xf32> -> vector<40x128xf32>
      %mul3A_294 = arith.mulf %dot_general3A_293, %get3A_44 : vector<40x128xf32>
      %reduce_sum3A_295 = arith.constant dense<0.000000e+00> : vector<128xf32>
      %reduce_sum3A_296 = vector.multi_reduction <add>, %mul3A_294, %reduce_sum3A_295 [0] : vector<40x128xf32> to vector<128xf32>
      %broadcast_in_dim3A_297 = vector.shape_cast %reduce_sum3A_296 : vector<128xf32> to vector<1x128xf32>
      %slice3A_298 = vector.extract_strided_slice %convert_element_type3A_34 {offsets = [1024, 0], sizes = [40, 128], strides = [1, 1]} : vector<4160x128xbf16> to vector<40x128xbf16>
      %slice3A_299 = vector.extract_strided_slice %transpose3A {offsets = [0, 4096], sizes = [128, 128], strides = [1, 1]} : vector<128x16384xbf16> to vector<128x128xbf16>
      %dot_general3A_300 = arith.constant dense<0.000000e+00> : vector<40x128xf32>
      %dot_general3A_301 = tpu.matmul %slice3A_298, %slice3A_299, %dot_general3A_300 {dimension_numbers = #tpu.dot_dimension_numbers<[1], [0], [0], [1], [0, 0, 1, 1], [], []>, transpose_lhs_hint = false} : vector<40x128xbf16>, vector<128x128xbf16>, vector<40x128xf32> -> vector<40x128xf32>
      %mul3A_302 = arith.mulf %dot_general3A_301, %get3A_44 : vector<40x128xf32>
      %reduce_sum3A_303 = arith.constant dense<0.000000e+00> : vector<128xf32>
      %reduce_sum3A_304 = vector.multi_reduction <add>, %mul3A_302, %reduce_sum3A_303 [0] : vector<40x128xf32> to vector<128xf32>
      %broadcast_in_dim3A_305 = vector.shape_cast %reduce_sum3A_304 : vector<128xf32> to vector<1x128xf32>
      %slice3A_306 = vector.extract_strided_slice %convert_element_type3A_34 {offsets = [1056, 0], sizes = [40, 128], strides = [1, 1]} : vector<4160x128xbf16> to vector<40x128xbf16>
      %slice3A_307 = vector.extract_strided_slice %transpose3A {offsets = [0, 4224], sizes = [128, 128], strides = [1, 1]} : vector<128x16384xbf16> to vector<128x128xbf16>
      %dot_general3A_308 = arith.constant dense<0.000000e+00> : vector<40x128xf32>
      %dot_general3A_309 = tpu.matmul %slice3A_306, %slice3A_307, %dot_general3A_308 {dimension_numbers = #tpu.dot_dimension_numbers<[1], [0], [0], [1], [0, 0, 1, 1], [], []>, transpose_lhs_hint = false} : vector<40x128xbf16>, vector<128x128xbf16>, vector<40x128xf32> -> vector<40x128xf32>
      %mul3A_310 = arith.mulf %dot_general3A_309, %get3A_44 : vector<40x128xf32>
      %reduce_sum3A_311 = arith.constant dense<0.000000e+00> : vector<128xf32>
      %reduce_sum3A_312 = vector.multi_reduction <add>, %mul3A_310, %reduce_sum3A_311 [0] : vector<40x128xf32> to vector<128xf32>
      %broadcast_in_dim3A_313 = vector.shape_cast %reduce_sum3A_312 : vector<128xf32> to vector<1x128xf32>
      %slice3A_314 = vector.extract_strided_slice %convert_element_type3A_34 {offsets = [1088, 0], sizes = [40, 128], strides = [1, 1]} : vector<4160x128xbf16> to vector<40x128xbf16>
      %slice3A_315 = vector.extract_strided_slice %transpose3A {offsets = [0, 4352], sizes = [128, 128], strides = [1, 1]} : vector<128x16384xbf16> to vector<128x128xbf16>
      %dot_general3A_316 = arith.constant dense<0.000000e+00> : vector<40x128xf32>
      %dot_general3A_317 = tpu.matmul %slice3A_314, %slice3A_315, %dot_general3A_316 {dimension_numbers = #tpu.dot_dimension_numbers<[1], [0], [0], [1], [0, 0, 1, 1], [], []>, transpose_lhs_hint = false} : vector<40x128xbf16>, vector<128x128xbf16>, vector<40x128xf32> -> vector<40x128xf32>
      %mul3A_318 = arith.mulf %dot_general3A_317, %get3A_44 : vector<40x128xf32>
      %reduce_sum3A_319 = arith.constant dense<0.000000e+00> : vector<128xf32>
      %reduce_sum3A_320 = vector.multi_reduction <add>, %mul3A_318, %reduce_sum3A_319 [0] : vector<40x128xf32> to vector<128xf32>
      %broadcast_in_dim3A_321 = vector.shape_cast %reduce_sum3A_320 : vector<128xf32> to vector<1x128xf32>
      %slice3A_322 = vector.extract_strided_slice %convert_element_type3A_34 {offsets = [1120, 0], sizes = [40, 128], strides = [1, 1]} : vector<4160x128xbf16> to vector<40x128xbf16>
      %slice3A_323 = vector.extract_strided_slice %transpose3A {offsets = [0, 4480], sizes = [128, 128], strides = [1, 1]} : vector<128x16384xbf16> to vector<128x128xbf16>
      %dot_general3A_324 = arith.constant dense<0.000000e+00> : vector<40x128xf32>
      %dot_general3A_325 = tpu.matmul %slice3A_322, %slice3A_323, %dot_general3A_324 {dimension_numbers = #tpu.dot_dimension_numbers<[1], [0], [0], [1], [0, 0, 1, 1], [], []>, transpose_lhs_hint = false} : vector<40x128xbf16>, vector<128x128xbf16>, vector<40x128xf32> -> vector<40x128xf32>
      %mul3A_326 = arith.mulf %dot_general3A_325, %get3A_44 : vector<40x128xf32>
      %reduce_sum3A_327 = arith.constant dense<0.000000e+00> : vector<128xf32>
      %reduce_sum3A_328 = vector.multi_reduction <add>, %mul3A_326, %reduce_sum3A_327 [0] : vector<40x128xf32> to vector<128xf32>
      %broadcast_in_dim3A_329 = vector.shape_cast %reduce_sum3A_328 : vector<128xf32> to vector<1x128xf32>
      %slice3A_330 = vector.extract_strided_slice %convert_element_type3A_34 {offsets = [1152, 0], sizes = [40, 128], strides = [1, 1]} : vector<4160x128xbf16> to vector<40x128xbf16>
      %slice3A_331 = vector.extract_strided_slice %transpose3A {offsets = [0, 4608], sizes = [128, 128], strides = [1, 1]} : vector<128x16384xbf16> to vector<128x128xbf16>
      %dot_general3A_332 = arith.constant dense<0.000000e+00> : vector<40x128xf32>
      %dot_general3A_333 = tpu.matmul %slice3A_330, %slice3A_331, %dot_general3A_332 {dimension_numbers = #tpu.dot_dimension_numbers<[1], [0], [0], [1], [0, 0, 1, 1], [], []>, transpose_lhs_hint = false} : vector<40x128xbf16>, vector<128x128xbf16>, vector<40x128xf32> -> vector<40x128xf32>
      %mul3A_334 = arith.mulf %dot_general3A_333, %get3A_44 : vector<40x128xf32>
      %reduce_sum3A_335 = arith.constant dense<0.000000e+00> : vector<128xf32>
      %reduce_sum3A_336 = vector.multi_reduction <add>, %mul3A_334, %reduce_sum3A_335 [0] : vector<40x128xf32> to vector<128xf32>
      %broadcast_in_dim3A_337 = vector.shape_cast %reduce_sum3A_336 : vector<128xf32> to vector<1x128xf32>
      %slice3A_338 = vector.extract_strided_slice %convert_element_type3A_34 {offsets = [1184, 0], sizes = [40, 128], strides = [1, 1]} : vector<4160x128xbf16> to vector<40x128xbf16>
      %slice3A_339 = vector.extract_strided_slice %transpose3A {offsets = [0, 4736], sizes = [128, 128], strides = [1, 1]} : vector<128x16384xbf16> to vector<128x128xbf16>
      %dot_general3A_340 = arith.constant dense<0.000000e+00> : vector<40x128xf32>
      %dot_general3A_341 = tpu.matmul %slice3A_338, %slice3A_339, %dot_general3A_340 {dimension_numbers = #tpu.dot_dimension_numbers<[1], [0], [0], [1], [0, 0, 1, 1], [], []>, transpose_lhs_hint = false} : vector<40x128xbf16>, vector<128x128xbf16>, vector<40x128xf32> -> vector<40x128xf32>
      %mul3A_342 = arith.mulf %dot_general3A_341, %get3A_44 : vector<40x128xf32>
      %reduce_sum3A_343 = arith.constant dense<0.000000e+00> : vector<128xf32>
      %reduce_sum3A_344 = vector.multi_reduction <add>, %mul3A_342, %reduce_sum3A_343 [0] : vector<40x128xf32> to vector<128xf32>
      %broadcast_in_dim3A_345 = vector.shape_cast %reduce_sum3A_344 : vector<128xf32> to vector<1x128xf32>
      %slice3A_346 = vector.extract_strided_slice %convert_element_type3A_34 {offsets = [1216, 0], sizes = [40, 128], strides = [1, 1]} : vector<4160x128xbf16> to vector<40x128xbf16>
      %slice3A_347 = vector.extract_strided_slice %transpose3A {offsets = [0, 4864], sizes = [128, 128], strides = [1, 1]} : vector<128x16384xbf16> to vector<128x128xbf16>
      %dot_general3A_348 = arith.constant dense<0.000000e+00> : vector<40x128xf32>
      %dot_general3A_349 = tpu.matmul %slice3A_346, %slice3A_347, %dot_general3A_348 {dimension_numbers = #tpu.dot_dimension_numbers<[1], [0], [0], [1], [0, 0, 1, 1], [], []>, transpose_lhs_hint = false} : vector<40x128xbf16>, vector<128x128xbf16>, vector<40x128xf32> -> vector<40x128xf32>
      %mul3A_350 = arith.mulf %dot_general3A_349, %get3A_44 : vector<40x128xf32>
      %reduce_sum3A_351 = arith.constant dense<0.000000e+00> : vector<128xf32>
      %reduce_sum3A_352 = vector.multi_reduction <add>, %mul3A_350, %reduce_sum3A_351 [0] : vector<40x128xf32> to vector<128xf32>
      %broadcast_in_dim3A_353 = vector.shape_cast %reduce_sum3A_352 : vector<128xf32> to vector<1x128xf32>
      %slice3A_354 = vector.extract_strided_slice %convert_element_type3A_34 {offsets = [1248, 0], sizes = [40, 128], strides = [1, 1]} : vector<4160x128xbf16> to vector<40x128xbf16>
      %slice3A_355 = vector.extract_strided_slice %transpose3A {offsets = [0, 4992], sizes = [128, 128], strides = [1, 1]} : vector<128x16384xbf16> to vector<128x128xbf16>
      %dot_general3A_356 = arith.constant dense<0.000000e+00> : vector<40x128xf32>
      %dot_general3A_357 = tpu.matmul %slice3A_354, %slice3A_355, %dot_general3A_356 {dimension_numbers = #tpu.dot_dimension_numbers<[1], [0], [0], [1], [0, 0, 1, 1], [], []>, transpose_lhs_hint = false} : vector<40x128xbf16>, vector<128x128xbf16>, vector<40x128xf32> -> vector<40x128xf32>
      %mul3A_358 = arith.mulf %dot_general3A_357, %get3A_44 : vector<40x128xf32>
      %reduce_sum3A_359 = arith.constant dense<0.000000e+00> : vector<128xf32>
      %reduce_sum3A_360 = vector.multi_reduction <add>, %mul3A_358, %reduce_sum3A_359 [0] : vector<40x128xf32> to vector<128xf32>
      %broadcast_in_dim3A_361 = vector.shape_cast %reduce_sum3A_360 : vector<128xf32> to vector<1x128xf32>
      %slice3A_362 = vector.extract_strided_slice %convert_element_type3A_34 {offsets = [1280, 0], sizes = [40, 128], strides = [1, 1]} : vector<4160x128xbf16> to vector<40x128xbf16>
      %slice3A_363 = vector.extract_strided_slice %transpose3A {offsets = [0, 5120], sizes = [128, 128], strides = [1, 1]} : vector<128x16384xbf16> to vector<128x128xbf16>
      %dot_general3A_364 = arith.constant dense<0.000000e+00> : vector<40x128xf32>
      %dot_general3A_365 = tpu.matmul %slice3A_362, %slice3A_363, %dot_general3A_364 {dimension_numbers = #tpu.dot_dimension_numbers<[1], [0], [0], [1], [0, 0, 1, 1], [], []>, transpose_lhs_hint = false} : vector<40x128xbf16>, vector<128x128xbf16>, vector<40x128xf32> -> vector<40x128xf32>
      %mul3A_366 = arith.mulf %dot_general3A_365, %get3A_44 : vector<40x128xf32>
      %reduce_sum3A_367 = arith.constant dense<0.000000e+00> : vector<128xf32>
      %reduce_sum3A_368 = vector.multi_reduction <add>, %mul3A_366, %reduce_sum3A_367 [0] : vector<40x128xf32> to vector<128xf32>
      %broadcast_in_dim3A_369 = vector.shape_cast %reduce_sum3A_368 : vector<128xf32> to vector<1x128xf32>
      %slice3A_370 = vector.extract_strided_slice %convert_element_type3A_34 {offsets = [1312, 0], sizes = [40, 128], strides = [1, 1]} : vector<4160x128xbf16> to vector<40x128xbf16>
      %slice3A_371 = vector.extract_strided_slice %transpose3A {offsets = [0, 5248], sizes = [128, 128], strides = [1, 1]} : vector<128x16384xbf16> to vector<128x128xbf16>
      %dot_general3A_372 = arith.constant dense<0.000000e+00> : vector<40x128xf32>
      %dot_general3A_373 = tpu.matmul %slice3A_370, %slice3A_371, %dot_general3A_372 {dimension_numbers = #tpu.dot_dimension_numbers<[1], [0], [0], [1], [0, 0, 1, 1], [], []>, transpose_lhs_hint = false} : vector<40x128xbf16>, vector<128x128xbf16>, vector<40x128xf32> -> vector<40x128xf32>
      %mul3A_374 = arith.mulf %dot_general3A_373, %get3A_44 : vector<40x128xf32>
      %reduce_sum3A_375 = arith.constant dense<0.000000e+00> : vector<128xf32>
      %reduce_sum3A_376 = vector.multi_reduction <add>, %mul3A_374, %reduce_sum3A_375 [0] : vector<40x128xf32> to vector<128xf32>
      %broadcast_in_dim3A_377 = vector.shape_cast %reduce_sum3A_376 : vector<128xf32> to vector<1x128xf32>
      %slice3A_378 = vector.extract_strided_slice %convert_element_type3A_34 {offsets = [1344, 0], sizes = [40, 128], strides = [1, 1]} : vector<4160x128xbf16> to vector<40x128xbf16>
      %slice3A_379 = vector.extract_strided_slice %transpose3A {offsets = [0, 5376], sizes = [128, 128], strides = [1, 1]} : vector<128x16384xbf16> to vector<128x128xbf16>
      %dot_general3A_380 = arith.constant dense<0.000000e+00> : vector<40x128xf32>
      %dot_general3A_381 = tpu.matmul %slice3A_378, %slice3A_379, %dot_general3A_380 {dimension_numbers = #tpu.dot_dimension_numbers<[1], [0], [0], [1], [0, 0, 1, 1], [], []>, transpose_lhs_hint = false} : vector<40x128xbf16>, vector<128x128xbf16>, vector<40x128xf32> -> vector<40x128xf32>
      %mul3A_382 = arith.mulf %dot_general3A_381, %get3A_44 : vector<40x128xf32>
      %reduce_sum3A_383 = arith.constant dense<0.000000e+00> : vector<128xf32>
      %reduce_sum3A_384 = vector.multi_reduction <add>, %mul3A_382, %reduce_sum3A_383 [0] : vector<40x128xf32> to vector<128xf32>
      %broadcast_in_dim3A_385 = vector.shape_cast %reduce_sum3A_384 : vector<128xf32> to vector<1x128xf32>
      %slice3A_386 = vector.extract_strided_slice %convert_element_type3A_34 {offsets = [1376, 0], sizes = [40, 128], strides = [1, 1]} : vector<4160x128xbf16> to vector<40x128xbf16>
      %slice3A_387 = vector.extract_strided_slice %transpose3A {offsets = [0, 5504], sizes = [128, 128], strides = [1, 1]} : vector<128x16384xbf16> to vector<128x128xbf16>
      %dot_general3A_388 = arith.constant dense<0.000000e+00> : vector<40x128xf32>
      %dot_general3A_389 = tpu.matmul %slice3A_386, %slice3A_387, %dot_general3A_388 {dimension_numbers = #tpu.dot_dimension_numbers<[1], [0], [0], [1], [0, 0, 1, 1], [], []>, transpose_lhs_hint = false} : vector<40x128xbf16>, vector<128x128xbf16>, vector<40x128xf32> -> vector<40x128xf32>
      %mul3A_390 = arith.mulf %dot_general3A_389, %get3A_44 : vector<40x128xf32>
      %reduce_sum3A_391 = arith.constant dense<0.000000e+00> : vector<128xf32>
      %reduce_sum3A_392 = vector.multi_reduction <add>, %mul3A_390, %reduce_sum3A_391 [0] : vector<40x128xf32> to vector<128xf32>
      %broadcast_in_dim3A_393 = vector.shape_cast %reduce_sum3A_392 : vector<128xf32> to vector<1x128xf32>
      %slice3A_394 = vector.extract_strided_slice %convert_element_type3A_34 {offsets = [1408, 0], sizes = [40, 128], strides = [1, 1]} : vector<4160x128xbf16> to vector<40x128xbf16>
      %slice3A_395 = vector.extract_strided_slice %transpose3A {offsets = [0, 5632], sizes = [128, 128], strides = [1, 1]} : vector<128x16384xbf16> to vector<128x128xbf16>
      %dot_general3A_396 = arith.constant dense<0.000000e+00> : vector<40x128xf32>
      %dot_general3A_397 = tpu.matmul %slice3A_394, %slice3A_395, %dot_general3A_396 {dimension_numbers = #tpu.dot_dimension_numbers<[1], [0], [0], [1], [0, 0, 1, 1], [], []>, transpose_lhs_hint = false} : vector<40x128xbf16>, vector<128x128xbf16>, vector<40x128xf32> -> vector<40x128xf32>
      %mul3A_398 = arith.mulf %dot_general3A_397, %get3A_44 : vector<40x128xf32>
      %reduce_sum3A_399 = arith.constant dense<0.000000e+00> : vector<128xf32>
      %reduce_sum3A_400 = vector.multi_reduction <add>, %mul3A_398, %reduce_sum3A_399 [0] : vector<40x128xf32> to vector<128xf32>
      %broadcast_in_dim3A_401 = vector.shape_cast %reduce_sum3A_400 : vector<128xf32> to vector<1x128xf32>
      %slice3A_402 = vector.extract_strided_slice %convert_element_type3A_34 {offsets = [1440, 0], sizes = [40, 128], strides = [1, 1]} : vector<4160x128xbf16> to vector<40x128xbf16>
      %slice3A_403 = vector.extract_strided_slice %transpose3A {offsets = [0, 5760], sizes = [128, 128], strides = [1, 1]} : vector<128x16384xbf16> to vector<128x128xbf16>
      %dot_general3A_404 = arith.constant dense<0.000000e+00> : vector<40x128xf32>
      %dot_general3A_405 = tpu.matmul %slice3A_402, %slice3A_403, %dot_general3A_404 {dimension_numbers = #tpu.dot_dimension_numbers<[1], [0], [0], [1], [0, 0, 1, 1], [], []>, transpose_lhs_hint = false} : vector<40x128xbf16>, vector<128x128xbf16>, vector<40x128xf32> -> vector<40x128xf32>
      %mul3A_406 = arith.mulf %dot_general3A_405, %get3A_44 : vector<40x128xf32>
      %reduce_sum3A_407 = arith.constant dense<0.000000e+00> : vector<128xf32>
      %reduce_sum3A_408 = vector.multi_reduction <add>, %mul3A_406, %reduce_sum3A_407 [0] : vector<40x128xf32> to vector<128xf32>
      %broadcast_in_dim3A_409 = vector.shape_cast %reduce_sum3A_408 : vector<128xf32> to vector<1x128xf32>
      %slice3A_410 = vector.extract_strided_slice %convert_element_type3A_34 {offsets = [1472, 0], sizes = [40, 128], strides = [1, 1]} : vector<4160x128xbf16> to vector<40x128xbf16>
      %slice3A_411 = vector.extract_strided_slice %transpose3A {offsets = [0, 5888], sizes = [128, 128], strides = [1, 1]} : vector<128x16384xbf16> to vector<128x128xbf16>
      %dot_general3A_412 = arith.constant dense<0.000000e+00> : vector<40x128xf32>
      %dot_general3A_413 = tpu.matmul %slice3A_410, %slice3A_411, %dot_general3A_412 {dimension_numbers = #tpu.dot_dimension_numbers<[1], [0], [0], [1], [0, 0, 1, 1], [], []>, transpose_lhs_hint = false} : vector<40x128xbf16>, vector<128x128xbf16>, vector<40x128xf32> -> vector<40x128xf32>
      %mul3A_414 = arith.mulf %dot_general3A_413, %get3A_44 : vector<40x128xf32>
      %reduce_sum3A_415 = arith.constant dense<0.000000e+00> : vector<128xf32>
      %reduce_sum3A_416 = vector.multi_reduction <add>, %mul3A_414, %reduce_sum3A_415 [0] : vector<40x128xf32> to vector<128xf32>
      %broadcast_in_dim3A_417 = vector.shape_cast %reduce_sum3A_416 : vector<128xf32> to vector<1x128xf32>
      %slice3A_418 = vector.extract_strided_slice %convert_element_type3A_34 {offsets = [1504, 0], sizes = [40, 128], strides = [1, 1]} : vector<4160x128xbf16> to vector<40x128xbf16>
      %slice3A_419 = vector.extract_strided_slice %transpose3A {offsets = [0, 6016], sizes = [128, 128], strides = [1, 1]} : vector<128x16384xbf16> to vector<128x128xbf16>
      %dot_general3A_420 = arith.constant dense<0.000000e+00> : vector<40x128xf32>
      %dot_general3A_421 = tpu.matmul %slice3A_418, %slice3A_419, %dot_general3A_420 {dimension_numbers = #tpu.dot_dimension_numbers<[1], [0], [0], [1], [0, 0, 1, 1], [], []>, transpose_lhs_hint = false} : vector<40x128xbf16>, vector<128x128xbf16>, vector<40x128xf32> -> vector<40x128xf32>
      %mul3A_422 = arith.mulf %dot_general3A_421, %get3A_44 : vector<40x128xf32>
      %reduce_sum3A_423 = arith.constant dense<0.000000e+00> : vector<128xf32>
      %reduce_sum3A_424 = vector.multi_reduction <add>, %mul3A_422, %reduce_sum3A_423 [0] : vector<40x128xf32> to vector<128xf32>
      %broadcast_in_dim3A_425 = vector.shape_cast %reduce_sum3A_424 : vector<128xf32> to vector<1x128xf32>
      %slice3A_426 = vector.extract_strided_slice %convert_element_type3A_34 {offsets = [1536, 0], sizes = [40, 128], strides = [1, 1]} : vector<4160x128xbf16> to vector<40x128xbf16>
      %slice3A_427 = vector.extract_strided_slice %transpose3A {offsets = [0, 6144], sizes = [128, 128], strides = [1, 1]} : vector<128x16384xbf16> to vector<128x128xbf16>
      %dot_general3A_428 = arith.constant dense<0.000000e+00> : vector<40x128xf32>
      %dot_general3A_429 = tpu.matmul %slice3A_426, %slice3A_427, %dot_general3A_428 {dimension_numbers = #tpu.dot_dimension_numbers<[1], [0], [0], [1], [0, 0, 1, 1], [], []>, transpose_lhs_hint = false} : vector<40x128xbf16>, vector<128x128xbf16>, vector<40x128xf32> -> vector<40x128xf32>
      %mul3A_430 = arith.mulf %dot_general3A_429, %get3A_44 : vector<40x128xf32>
      %reduce_sum3A_431 = arith.constant dense<0.000000e+00> : vector<128xf32>
      %reduce_sum3A_432 = vector.multi_reduction <add>, %mul3A_430, %reduce_sum3A_431 [0] : vector<40x128xf32> to vector<128xf32>
      %broadcast_in_dim3A_433 = vector.shape_cast %reduce_sum3A_432 : vector<128xf32> to vector<1x128xf32>
      %slice3A_434 = vector.extract_strided_slice %convert_element_type3A_34 {offsets = [1568, 0], sizes = [40, 128], strides = [1, 1]} : vector<4160x128xbf16> to vector<40x128xbf16>
      %slice3A_435 = vector.extract_strided_slice %transpose3A {offsets = [0, 6272], sizes = [128, 128], strides = [1, 1]} : vector<128x16384xbf16> to vector<128x128xbf16>
      %dot_general3A_436 = arith.constant dense<0.000000e+00> : vector<40x128xf32>
      %dot_general3A_437 = tpu.matmul %slice3A_434, %slice3A_435, %dot_general3A_436 {dimension_numbers = #tpu.dot_dimension_numbers<[1], [0], [0], [1], [0, 0, 1, 1], [], []>, transpose_lhs_hint = false} : vector<40x128xbf16>, vector<128x128xbf16>, vector<40x128xf32> -> vector<40x128xf32>
      %mul3A_438 = arith.mulf %dot_general3A_437, %get3A_44 : vector<40x128xf32>
      %reduce_sum3A_439 = arith.constant dense<0.000000e+00> : vector<128xf32>
      %reduce_sum3A_440 = vector.multi_reduction <add>, %mul3A_438, %reduce_sum3A_439 [0] : vector<40x128xf32> to vector<128xf32>
      %broadcast_in_dim3A_441 = vector.shape_cast %reduce_sum3A_440 : vector<128xf32> to vector<1x128xf32>
      %slice3A_442 = vector.extract_strided_slice %convert_element_type3A_34 {offsets = [1600, 0], sizes = [40, 128], strides = [1, 1]} : vector<4160x128xbf16> to vector<40x128xbf16>
      %slice3A_443 = vector.extract_strided_slice %transpose3A {offsets = [0, 6400], sizes = [128, 128], strides = [1, 1]} : vector<128x16384xbf16> to vector<128x128xbf16>
      %dot_general3A_444 = arith.constant dense<0.000000e+00> : vector<40x128xf32>
      %dot_general3A_445 = tpu.matmul %slice3A_442, %slice3A_443, %dot_general3A_444 {dimension_numbers = #tpu.dot_dimension_numbers<[1], [0], [0], [1], [0, 0, 1, 1], [], []>, transpose_lhs_hint = false} : vector<40x128xbf16>, vector<128x128xbf16>, vector<40x128xf32> -> vector<40x128xf32>
      %mul3A_446 = arith.mulf %dot_general3A_445, %get3A_44 : vector<40x128xf32>
      %reduce_sum3A_447 = arith.constant dense<0.000000e+00> : vector<128xf32>
      %reduce_sum3A_448 = vector.multi_reduction <add>, %mul3A_446, %reduce_sum3A_447 [0] : vector<40x128xf32> to vector<128xf32>
      %broadcast_in_dim3A_449 = vector.shape_cast %reduce_sum3A_448 : vector<128xf32> to vector<1x128xf32>
      %slice3A_450 = vector.extract_strided_slice %convert_element_type3A_34 {offsets = [1632, 0], sizes = [40, 128], strides = [1, 1]} : vector<4160x128xbf16> to vector<40x128xbf16>
      %slice3A_451 = vector.extract_strided_slice %transpose3A {offsets = [0, 6528], sizes = [128, 128], strides = [1, 1]} : vector<128x16384xbf16> to vector<128x128xbf16>
      %dot_general3A_452 = arith.constant dense<0.000000e+00> : vector<40x128xf32>
      %dot_general3A_453 = tpu.matmul %slice3A_450, %slice3A_451, %dot_general3A_452 {dimension_numbers = #tpu.dot_dimension_numbers<[1], [0], [0], [1], [0, 0, 1, 1], [], []>, transpose_lhs_hint = false} : vector<40x128xbf16>, vector<128x128xbf16>, vector<40x128xf32> -> vector<40x128xf32>
      %mul3A_454 = arith.mulf %dot_general3A_453, %get3A_44 : vector<40x128xf32>
      %reduce_sum3A_455 = arith.constant dense<0.000000e+00> : vector<128xf32>
      %reduce_sum3A_456 = vector.multi_reduction <add>, %mul3A_454, %reduce_sum3A_455 [0] : vector<40x128xf32> to vector<128xf32>
      %broadcast_in_dim3A_457 = vector.shape_cast %reduce_sum3A_456 : vector<128xf32> to vector<1x128xf32>
      %slice3A_458 = vector.extract_strided_slice %convert_element_type3A_34 {offsets = [1664, 0], sizes = [40, 128], strides = [1, 1]} : vector<4160x128xbf16> to vector<40x128xbf16>
      %slice3A_459 = vector.extract_strided_slice %transpose3A {offsets = [0, 6656], sizes = [128, 128], strides = [1, 1]} : vector<128x16384xbf16> to vector<128x128xbf16>
      %dot_general3A_460 = arith.constant dense<0.000000e+00> : vector<40x128xf32>
      %dot_general3A_461 = tpu.matmul %slice3A_458, %slice3A_459, %dot_general3A_460 {dimension_numbers = #tpu.dot_dimension_numbers<[1], [0], [0], [1], [0, 0, 1, 1], [], []>, transpose_lhs_hint = false} : vector<40x128xbf16>, vector<128x128xbf16>, vector<40x128xf32> -> vector<40x128xf32>
      %mul3A_462 = arith.mulf %dot_general3A_461, %get3A_44 : vector<40x128xf32>
      %reduce_sum3A_463 = arith.constant dense<0.000000e+00> : vector<128xf32>
      %reduce_sum3A_464 = vector.multi_reduction <add>, %mul3A_462, %reduce_sum3A_463 [0] : vector<40x128xf32> to vector<128xf32>
      %broadcast_in_dim3A_465 = vector.shape_cast %reduce_sum3A_464 : vector<128xf32> to vector<1x128xf32>
      %slice3A_466 = vector.extract_strided_slice %convert_element_type3A_34 {offsets = [1696, 0], sizes = [40, 128], strides = [1, 1]} : vector<4160x128xbf16> to vector<40x128xbf16>
      %slice3A_467 = vector.extract_strided_slice %transpose3A {offsets = [0, 6784], sizes = [128, 128], strides = [1, 1]} : vector<128x16384xbf16> to vector<128x128xbf16>
      %dot_general3A_468 = arith.constant dense<0.000000e+00> : vector<40x128xf32>
      %dot_general3A_469 = tpu.matmul %slice3A_466, %slice3A_467, %dot_general3A_468 {dimension_numbers = #tpu.dot_dimension_numbers<[1], [0], [0], [1], [0, 0, 1, 1], [], []>, transpose_lhs_hint = false} : vector<40x128xbf16>, vector<128x128xbf16>, vector<40x128xf32> -> vector<40x128xf32>
      %mul3A_470 = arith.mulf %dot_general3A_469, %get3A_44 : vector<40x128xf32>
      %reduce_sum3A_471 = arith.constant dense<0.000000e+00> : vector<128xf32>
      %reduce_sum3A_472 = vector.multi_reduction <add>, %mul3A_470, %reduce_sum3A_471 [0] : vector<40x128xf32> to vector<128xf32>
      %broadcast_in_dim3A_473 = vector.shape_cast %reduce_sum3A_472 : vector<128xf32> to vector<1x128xf32>
      %slice3A_474 = vector.extract_strided_slice %convert_element_type3A_34 {offsets = [1728, 0], sizes = [40, 128], strides = [1, 1]} : vector<4160x128xbf16> to vector<40x128xbf16>
      %slice3A_475 = vector.extract_strided_slice %transpose3A {offsets = [0, 6912], sizes = [128, 128], strides = [1, 1]} : vector<128x16384xbf16> to vector<128x128xbf16>
      %dot_general3A_476 = arith.constant dense<0.000000e+00> : vector<40x128xf32>
      %dot_general3A_477 = tpu.matmul %slice3A_474, %slice3A_475, %dot_general3A_476 {dimension_numbers = #tpu.dot_dimension_numbers<[1], [0], [0], [1], [0, 0, 1, 1], [], []>, transpose_lhs_hint = false} : vector<40x128xbf16>, vector<128x128xbf16>, vector<40x128xf32> -> vector<40x128xf32>
      %mul3A_478 = arith.mulf %dot_general3A_477, %get3A_44 : vector<40x128xf32>
      %reduce_sum3A_479 = arith.constant dense<0.000000e+00> : vector<128xf32>
      %reduce_sum3A_480 = vector.multi_reduction <add>, %mul3A_478, %reduce_sum3A_479 [0] : vector<40x128xf32> to vector<128xf32>
      %broadcast_in_dim3A_481 = vector.shape_cast %reduce_sum3A_480 : vector<128xf32> to vector<1x128xf32>
      %slice3A_482 = vector.extract_strided_slice %convert_element_type3A_34 {offsets = [1760, 0], sizes = [40, 128], strides = [1, 1]} : vector<4160x128xbf16> to vector<40x128xbf16>
      %slice3A_483 = vector.extract_strided_slice %transpose3A {offsets = [0, 7040], sizes = [128, 128], strides = [1, 1]} : vector<128x16384xbf16> to vector<128x128xbf16>
      %dot_general3A_484 = arith.constant dense<0.000000e+00> : vector<40x128xf32>
      %dot_general3A_485 = tpu.matmul %slice3A_482, %slice3A_483, %dot_general3A_484 {dimension_numbers = #tpu.dot_dimension_numbers<[1], [0], [0], [1], [0, 0, 1, 1], [], []>, transpose_lhs_hint = false} : vector<40x128xbf16>, vector<128x128xbf16>, vector<40x128xf32> -> vector<40x128xf32>
      %mul3A_486 = arith.mulf %dot_general3A_485, %get3A_44 : vector<40x128xf32>
      %reduce_sum3A_487 = arith.constant dense<0.000000e+00> : vector<128xf32>
      %reduce_sum3A_488 = vector.multi_reduction <add>, %mul3A_486, %reduce_sum3A_487 [0] : vector<40x128xf32> to vector<128xf32>
      %broadcast_in_dim3A_489 = vector.shape_cast %reduce_sum3A_488 : vector<128xf32> to vector<1x128xf32>
      %slice3A_490 = vector.extract_strided_slice %convert_element_type3A_34 {offsets = [1792, 0], sizes = [40, 128], strides = [1, 1]} : vector<4160x128xbf16> to vector<40x128xbf16>
      %slice3A_491 = vector.extract_strided_slice %transpose3A {offsets = [0, 7168], sizes = [128, 128], strides = [1, 1]} : vector<128x16384xbf16> to vector<128x128xbf16>
      %dot_general3A_492 = arith.constant dense<0.000000e+00> : vector<40x128xf32>
      %dot_general3A_493 = tpu.matmul %slice3A_490, %slice3A_491, %dot_general3A_492 {dimension_numbers = #tpu.dot_dimension_numbers<[1], [0], [0], [1], [0, 0, 1, 1], [], []>, transpose_lhs_hint = false} : vector<40x128xbf16>, vector<128x128xbf16>, vector<40x128xf32> -> vector<40x128xf32>
      %mul3A_494 = arith.mulf %dot_general3A_493, %get3A_44 : vector<40x128xf32>
      %reduce_sum3A_495 = arith.constant dense<0.000000e+00> : vector<128xf32>
      %reduce_sum3A_496 = vector.multi_reduction <add>, %mul3A_494, %reduce_sum3A_495 [0] : vector<40x128xf32> to vector<128xf32>
      %broadcast_in_dim3A_497 = vector.shape_cast %reduce_sum3A_496 : vector<128xf32> to vector<1x128xf32>
      %slice3A_498 = vector.extract_strided_slice %convert_element_type3A_34 {offsets = [1824, 0], sizes = [40, 128], strides = [1, 1]} : vector<4160x128xbf16> to vector<40x128xbf16>
      %slice3A_499 = vector.extract_strided_slice %transpose3A {offsets = [0, 7296], sizes = [128, 128], strides = [1, 1]} : vector<128x16384xbf16> to vector<128x128xbf16>
      %dot_general3A_500 = arith.constant dense<0.000000e+00> : vector<40x128xf32>
      %dot_general3A_501 = tpu.matmul %slice3A_498, %slice3A_499, %dot_general3A_500 {dimension_numbers = #tpu.dot_dimension_numbers<[1], [0], [0], [1], [0, 0, 1, 1], [], []>, transpose_lhs_hint = false} : vector<40x128xbf16>, vector<128x128xbf16>, vector<40x128xf32> -> vector<40x128xf32>
      %mul3A_502 = arith.mulf %dot_general3A_501, %get3A_44 : vector<40x128xf32>
      %reduce_sum3A_503 = arith.constant dense<0.000000e+00> : vector<128xf32>
      %reduce_sum3A_504 = vector.multi_reduction <add>, %mul3A_502, %reduce_sum3A_503 [0] : vector<40x128xf32> to vector<128xf32>
      %broadcast_in_dim3A_505 = vector.shape_cast %reduce_sum3A_504 : vector<128xf32> to vector<1x128xf32>
      %slice3A_506 = vector.extract_strided_slice %convert_element_type3A_34 {offsets = [1856, 0], sizes = [40, 128], strides = [1, 1]} : vector<4160x128xbf16> to vector<40x128xbf16>
      %slice3A_507 = vector.extract_strided_slice %transpose3A {offsets = [0, 7424], sizes = [128, 128], strides = [1, 1]} : vector<128x16384xbf16> to vector<128x128xbf16>
      %dot_general3A_508 = arith.constant dense<0.000000e+00> : vector<40x128xf32>
      %dot_general3A_509 = tpu.matmul %slice3A_506, %slice3A_507, %dot_general3A_508 {dimension_numbers = #tpu.dot_dimension_numbers<[1], [0], [0], [1], [0, 0, 1, 1], [], []>, transpose_lhs_hint = false} : vector<40x128xbf16>, vector<128x128xbf16>, vector<40x128xf32> -> vector<40x128xf32>
      %mul3A_510 = arith.mulf %dot_general3A_509, %get3A_44 : vector<40x128xf32>
      %reduce_sum3A_511 = arith.constant dense<0.000000e+00> : vector<128xf32>
      %reduce_sum3A_512 = vector.multi_reduction <add>, %mul3A_510, %reduce_sum3A_511 [0] : vector<40x128xf32> to vector<128xf32>
      %broadcast_in_dim3A_513 = vector.shape_cast %reduce_sum3A_512 : vector<128xf32> to vector<1x128xf32>
      %slice3A_514 = vector.extract_strided_slice %convert_element_type3A_34 {offsets = [1888, 0], sizes = [40, 128], strides = [1, 1]} : vector<4160x128xbf16> to vector<40x128xbf16>
      %slice3A_515 = vector.extract_strided_slice %transpose3A {offsets = [0, 7552], sizes = [128, 128], strides = [1, 1]} : vector<128x16384xbf16> to vector<128x128xbf16>
      %dot_general3A_516 = arith.constant dense<0.000000e+00> : vector<40x128xf32>
      %dot_general3A_517 = tpu.matmul %slice3A_514, %slice3A_515, %dot_general3A_516 {dimension_numbers = #tpu.dot_dimension_numbers<[1], [0], [0], [1], [0, 0, 1, 1], [], []>, transpose_lhs_hint = false} : vector<40x128xbf16>, vector<128x128xbf16>, vector<40x128xf32> -> vector<40x128xf32>
      %mul3A_518 = arith.mulf %dot_general3A_517, %get3A_44 : vector<40x128xf32>
      %reduce_sum3A_519 = arith.constant dense<0.000000e+00> : vector<128xf32>
      %reduce_sum3A_520 = vector.multi_reduction <add>, %mul3A_518, %reduce_sum3A_519 [0] : vector<40x128xf32> to vector<128xf32>
      %broadcast_in_dim3A_521 = vector.shape_cast %reduce_sum3A_520 : vector<128xf32> to vector<1x128xf32>
      %slice3A_522 = vector.extract_strided_slice %convert_element_type3A_34 {offsets = [1920, 0], sizes = [40, 128], strides = [1, 1]} : vector<4160x128xbf16> to vector<40x128xbf16>
      %slice3A_523 = vector.extract_strided_slice %transpose3A {offsets = [0, 7680], sizes = [128, 128], strides = [1, 1]} : vector<128x16384xbf16> to vector<128x128xbf16>
      %dot_general3A_524 = arith.constant dense<0.000000e+00> : vector<40x128xf32>
      %dot_general3A_525 = tpu.matmul %slice3A_522, %slice3A_523, %dot_general3A_524 {dimension_numbers = #tpu.dot_dimension_numbers<[1], [0], [0], [1], [0, 0, 1, 1], [], []>, transpose_lhs_hint = false} : vector<40x128xbf16>, vector<128x128xbf16>, vector<40x128xf32> -> vector<40x128xf32>
      %mul3A_526 = arith.mulf %dot_general3A_525, %get3A_44 : vector<40x128xf32>
      %reduce_sum3A_527 = arith.constant dense<0.000000e+00> : vector<128xf32>
      %reduce_sum3A_528 = vector.multi_reduction <add>, %mul3A_526, %reduce_sum3A_527 [0] : vector<40x128xf32> to vector<128xf32>
      %broadcast_in_dim3A_529 = vector.shape_cast %reduce_sum3A_528 : vector<128xf32> to vector<1x128xf32>
      %slice3A_530 = vector.extract_strided_slice %convert_element_type3A_34 {offsets = [1952, 0], sizes = [40, 128], strides = [1, 1]} : vector<4160x128xbf16> to vector<40x128xbf16>
      %slice3A_531 = vector.extract_strided_slice %transpose3A {offsets = [0, 7808], sizes = [128, 128], strides = [1, 1]} : vector<128x16384xbf16> to vector<128x128xbf16>
      %dot_general3A_532 = arith.constant dense<0.000000e+00> : vector<40x128xf32>
      %dot_general3A_533 = tpu.matmul %slice3A_530, %slice3A_531, %dot_general3A_532 {dimension_numbers = #tpu.dot_dimension_numbers<[1], [0], [0], [1], [0, 0, 1, 1], [], []>, transpose_lhs_hint = false} : vector<40x128xbf16>, vector<128x128xbf16>, vector<40x128xf32> -> vector<40x128xf32>
      %mul3A_534 = arith.mulf %dot_general3A_533, %get3A_44 : vector<40x128xf32>
      %reduce_sum3A_535 = arith.constant dense<0.000000e+00> : vector<128xf32>
      %reduce_sum3A_536 = vector.multi_reduction <add>, %mul3A_534, %reduce_sum3A_535 [0] : vector<40x128xf32> to vector<128xf32>
      %broadcast_in_dim3A_537 = vector.shape_cast %reduce_sum3A_536 : vector<128xf32> to vector<1x128xf32>
      %slice3A_538 = vector.extract_strided_slice %convert_element_type3A_34 {offsets = [1984, 0], sizes = [40, 128], strides = [1, 1]} : vector<4160x128xbf16> to vector<40x128xbf16>
      %slice3A_539 = vector.extract_strided_slice %transpose3A {offsets = [0, 7936], sizes = [128, 128], strides = [1, 1]} : vector<128x16384xbf16> to vector<128x128xbf16>
      %dot_general3A_540 = arith.constant dense<0.000000e+00> : vector<40x128xf32>
      %dot_general3A_541 = tpu.matmul %slice3A_538, %slice3A_539, %dot_general3A_540 {dimension_numbers = #tpu.dot_dimension_numbers<[1], [0], [0], [1], [0, 0, 1, 1], [], []>, transpose_lhs_hint = false} : vector<40x128xbf16>, vector<128x128xbf16>, vector<40x128xf32> -> vector<40x128xf32>
      %mul3A_542 = arith.mulf %dot_general3A_541, %get3A_44 : vector<40x128xf32>
      %reduce_sum3A_543 = arith.constant dense<0.000000e+00> : vector<128xf32>
      %reduce_sum3A_544 = vector.multi_reduction <add>, %mul3A_542, %reduce_sum3A_543 [0] : vector<40x128xf32> to vector<128xf32>
      %broadcast_in_dim3A_545 = vector.shape_cast %reduce_sum3A_544 : vector<128xf32> to vector<1x128xf32>
      %slice3A_546 = vector.extract_strided_slice %convert_element_type3A_34 {offsets = [2016, 0], sizes = [40, 128], strides = [1, 1]} : vector<4160x128xbf16> to vector<40x128xbf16>
      %slice3A_547 = vector.extract_strided_slice %transpose3A {offsets = [0, 8064], sizes = [128, 128], strides = [1, 1]} : vector<128x16384xbf16> to vector<128x128xbf16>
      %dot_general3A_548 = arith.constant dense<0.000000e+00> : vector<40x128xf32>
      %dot_general3A_549 = tpu.matmul %slice3A_546, %slice3A_547, %dot_general3A_548 {dimension_numbers = #tpu.dot_dimension_numbers<[1], [0], [0], [1], [0, 0, 1, 1], [], []>, transpose_lhs_hint = false} : vector<40x128xbf16>, vector<128x128xbf16>, vector<40x128xf32> -> vector<40x128xf32>
      %mul3A_550 = arith.mulf %dot_general3A_549, %get3A_44 : vector<40x128xf32>
      %reduce_sum3A_551 = arith.constant dense<0.000000e+00> : vector<128xf32>
      %reduce_sum3A_552 = vector.multi_reduction <add>, %mul3A_550, %reduce_sum3A_551 [0] : vector<40x128xf32> to vector<128xf32>
      %broadcast_in_dim3A_553 = vector.shape_cast %reduce_sum3A_552 : vector<128xf32> to vector<1x128xf32>
      %slice3A_554 = vector.extract_strided_slice %convert_element_type3A_34 {offsets = [2048, 0], sizes = [40, 128], strides = [1, 1]} : vector<4160x128xbf16> to vector<40x128xbf16>
      %slice3A_555 = vector.extract_strided_slice %transpose3A {offsets = [0, 8192], sizes = [128, 128], strides = [1, 1]} : vector<128x16384xbf16> to vector<128x128xbf16>
      %dot_general3A_556 = arith.constant dense<0.000000e+00> : vector<40x128xf32>
      %dot_general3A_557 = tpu.matmul %slice3A_554, %slice3A_555, %dot_general3A_556 {dimension_numbers = #tpu.dot_dimension_numbers<[1], [0], [0], [1], [0, 0, 1, 1], [], []>, transpose_lhs_hint = false} : vector<40x128xbf16>, vector<128x128xbf16>, vector<40x128xf32> -> vector<40x128xf32>
      %mul3A_558 = arith.mulf %dot_general3A_557, %get3A_44 : vector<40x128xf32>
      %reduce_sum3A_559 = arith.constant dense<0.000000e+00> : vector<128xf32>
      %reduce_sum3A_560 = vector.multi_reduction <add>, %mul3A_558, %reduce_sum3A_559 [0] : vector<40x128xf32> to vector<128xf32>
      %broadcast_in_dim3A_561 = vector.shape_cast %reduce_sum3A_560 : vector<128xf32> to vector<1x128xf32>
      %slice3A_562 = vector.extract_strided_slice %convert_element_type3A_34 {offsets = [2080, 0], sizes = [40, 128], strides = [1, 1]} : vector<4160x128xbf16> to vector<40x128xbf16>
      %slice3A_563 = vector.extract_strided_slice %transpose3A {offsets = [0, 8320], sizes = [128, 128], strides = [1, 1]} : vector<128x16384xbf16> to vector<128x128xbf16>
      %dot_general3A_564 = arith.constant dense<0.000000e+00> : vector<40x128xf32>
      %dot_general3A_565 = tpu.matmul %slice3A_562, %slice3A_563, %dot_general3A_564 {dimension_numbers = #tpu.dot_dimension_numbers<[1], [0], [0], [1], [0, 0, 1, 1], [], []>, transpose_lhs_hint = false} : vector<40x128xbf16>, vector<128x128xbf16>, vector<40x128xf32> -> vector<40x128xf32>
      %mul3A_566 = arith.mulf %dot_general3A_565, %get3A_44 : vector<40x128xf32>
      %reduce_sum3A_567 = arith.constant dense<0.000000e+00> : vector<128xf32>
      %reduce_sum3A_568 = vector.multi_reduction <add>, %mul3A_566, %reduce_sum3A_567 [0] : vector<40x128xf32> to vector<128xf32>
      %broadcast_in_dim3A_569 = vector.shape_cast %reduce_sum3A_568 : vector<128xf32> to vector<1x128xf32>
      %slice3A_570 = vector.extract_strided_slice %convert_element_type3A_34 {offsets = [2112, 0], sizes = [40, 128], strides = [1, 1]} : vector<4160x128xbf16> to vector<40x128xbf16>
      %slice3A_571 = vector.extract_strided_slice %transpose3A {offsets = [0, 8448], sizes = [128, 128], strides = [1, 1]} : vector<128x16384xbf16> to vector<128x128xbf16>
      %dot_general3A_572 = arith.constant dense<0.000000e+00> : vector<40x128xf32>
      %dot_general3A_573 = tpu.matmul %slice3A_570, %slice3A_571, %dot_general3A_572 {dimension_numbers = #tpu.dot_dimension_numbers<[1], [0], [0], [1], [0, 0, 1, 1], [], []>, transpose_lhs_hint = false} : vector<40x128xbf16>, vector<128x128xbf16>, vector<40x128xf32> -> vector<40x128xf32>
      %mul3A_574 = arith.mulf %dot_general3A_573, %get3A_44 : vector<40x128xf32>
      %reduce_sum3A_575 = arith.constant dense<0.000000e+00> : vector<128xf32>
      %reduce_sum3A_576 = vector.multi_reduction <add>, %mul3A_574, %reduce_sum3A_575 [0] : vector<40x128xf32> to vector<128xf32>
      %broadcast_in_dim3A_577 = vector.shape_cast %reduce_sum3A_576 : vector<128xf32> to vector<1x128xf32>
      %slice3A_578 = vector.extract_strided_slice %convert_element_type3A_34 {offsets = [2144, 0], sizes = [40, 128], strides = [1, 1]} : vector<4160x128xbf16> to vector<40x128xbf16>
      %slice3A_579 = vector.extract_strided_slice %transpose3A {offsets = [0, 8576], sizes = [128, 128], strides = [1, 1]} : vector<128x16384xbf16> to vector<128x128xbf16>
      %dot_general3A_580 = arith.constant dense<0.000000e+00> : vector<40x128xf32>
      %dot_general3A_581 = tpu.matmul %slice3A_578, %slice3A_579, %dot_general3A_580 {dimension_numbers = #tpu.dot_dimension_numbers<[1], [0], [0], [1], [0, 0, 1, 1], [], []>, transpose_lhs_hint = false} : vector<40x128xbf16>, vector<128x128xbf16>, vector<40x128xf32> -> vector<40x128xf32>
      %mul3A_582 = arith.mulf %dot_general3A_581, %get3A_44 : vector<40x128xf32>
      %reduce_sum3A_583 = arith.constant dense<0.000000e+00> : vector<128xf32>
      %reduce_sum3A_584 = vector.multi_reduction <add>, %mul3A_582, %reduce_sum3A_583 [0] : vector<40x128xf32> to vector<128xf32>
      %broadcast_in_dim3A_585 = vector.shape_cast %reduce_sum3A_584 : vector<128xf32> to vector<1x128xf32>
      %slice3A_586 = vector.extract_strided_slice %convert_element_type3A_34 {offsets = [2176, 0], sizes = [40, 128], strides = [1, 1]} : vector<4160x128xbf16> to vector<40x128xbf16>
      %slice3A_587 = vector.extract_strided_slice %transpose3A {offsets = [0, 8704], sizes = [128, 128], strides = [1, 1]} : vector<128x16384xbf16> to vector<128x128xbf16>
      %dot_general3A_588 = arith.constant dense<0.000000e+00> : vector<40x128xf32>
      %dot_general3A_589 = tpu.matmul %slice3A_586, %slice3A_587, %dot_general3A_588 {dimension_numbers = #tpu.dot_dimension_numbers<[1], [0], [0], [1], [0, 0, 1, 1], [], []>, transpose_lhs_hint = false} : vector<40x128xbf16>, vector<128x128xbf16>, vector<40x128xf32> -> vector<40x128xf32>
      %mul3A_590 = arith.mulf %dot_general3A_589, %get3A_44 : vector<40x128xf32>
      %reduce_sum3A_591 = arith.constant dense<0.000000e+00> : vector<128xf32>
      %reduce_sum3A_592 = vector.multi_reduction <add>, %mul3A_590, %reduce_sum3A_591 [0] : vector<40x128xf32> to vector<128xf32>
      %broadcast_in_dim3A_593 = vector.shape_cast %reduce_sum3A_592 : vector<128xf32> to vector<1x128xf32>
      %slice3A_594 = vector.extract_strided_slice %convert_element_type3A_34 {offsets = [2208, 0], sizes = [40, 128], strides = [1, 1]} : vector<4160x128xbf16> to vector<40x128xbf16>
      %slice3A_595 = vector.extract_strided_slice %transpose3A {offsets = [0, 8832], sizes = [128, 128], strides = [1, 1]} : vector<128x16384xbf16> to vector<128x128xbf16>
      %dot_general3A_596 = arith.constant dense<0.000000e+00> : vector<40x128xf32>
      %dot_general3A_597 = tpu.matmul %slice3A_594, %slice3A_595, %dot_general3A_596 {dimension_numbers = #tpu.dot_dimension_numbers<[1], [0], [0], [1], [0, 0, 1, 1], [], []>, transpose_lhs_hint = false} : vector<40x128xbf16>, vector<128x128xbf16>, vector<40x128xf32> -> vector<40x128xf32>
      %mul3A_598 = arith.mulf %dot_general3A_597, %get3A_44 : vector<40x128xf32>
      %reduce_sum3A_599 = arith.constant dense<0.000000e+00> : vector<128xf32>
      %reduce_sum3A_600 = vector.multi_reduction <add>, %mul3A_598, %reduce_sum3A_599 [0] : vector<40x128xf32> to vector<128xf32>
      %broadcast_in_dim3A_601 = vector.shape_cast %reduce_sum3A_600 : vector<128xf32> to vector<1x128xf32>
      %slice3A_602 = vector.extract_strided_slice %convert_element_type3A_34 {offsets = [2240, 0], sizes = [40, 128], strides = [1, 1]} : vector<4160x128xbf16> to vector<40x128xbf16>
      %slice3A_603 = vector.extract_strided_slice %transpose3A {offsets = [0, 8960], sizes = [128, 128], strides = [1, 1]} : vector<128x16384xbf16> to vector<128x128xbf16>
      %dot_general3A_604 = arith.constant dense<0.000000e+00> : vector<40x128xf32>
      %dot_general3A_605 = tpu.matmul %slice3A_602, %slice3A_603, %dot_general3A_604 {dimension_numbers = #tpu.dot_dimension_numbers<[1], [0], [0], [1], [0, 0, 1, 1], [], []>, transpose_lhs_hint = false} : vector<40x128xbf16>, vector<128x128xbf16>, vector<40x128xf32> -> vector<40x128xf32>
      %mul3A_606 = arith.mulf %dot_general3A_605, %get3A_44 : vector<40x128xf32>
      %reduce_sum3A_607 = arith.constant dense<0.000000e+00> : vector<128xf32>
      %reduce_sum3A_608 = vector.multi_reduction <add>, %mul3A_606, %reduce_sum3A_607 [0] : vector<40x128xf32> to vector<128xf32>
      %broadcast_in_dim3A_609 = vector.shape_cast %reduce_sum3A_608 : vector<128xf32> to vector<1x128xf32>
      %slice3A_610 = vector.extract_strided_slice %convert_element_type3A_34 {offsets = [2272, 0], sizes = [40, 128], strides = [1, 1]} : vector<4160x128xbf16> to vector<40x128xbf16>
      %slice3A_611 = vector.extract_strided_slice %transpose3A {offsets = [0, 9088], sizes = [128, 128], strides = [1, 1]} : vector<128x16384xbf16> to vector<128x128xbf16>
      %dot_general3A_612 = arith.constant dense<0.000000e+00> : vector<40x128xf32>
      %dot_general3A_613 = tpu.matmul %slice3A_610, %slice3A_611, %dot_general3A_612 {dimension_numbers = #tpu.dot_dimension_numbers<[1], [0], [0], [1], [0, 0, 1, 1], [], []>, transpose_lhs_hint = false} : vector<40x128xbf16>, vector<128x128xbf16>, vector<40x128xf32> -> vector<40x128xf32>
      %mul3A_614 = arith.mulf %dot_general3A_613, %get3A_44 : vector<40x128xf32>
      %reduce_sum3A_615 = arith.constant dense<0.000000e+00> : vector<128xf32>
      %reduce_sum3A_616 = vector.multi_reduction <add>, %mul3A_614, %reduce_sum3A_615 [0] : vector<40x128xf32> to vector<128xf32>
      %broadcast_in_dim3A_617 = vector.shape_cast %reduce_sum3A_616 : vector<128xf32> to vector<1x128xf32>
      %slice3A_618 = vector.extract_strided_slice %convert_element_type3A_34 {offsets = [2304, 0], sizes = [40, 128], strides = [1, 1]} : vector<4160x128xbf16> to vector<40x128xbf16>
      %slice3A_619 = vector.extract_strided_slice %transpose3A {offsets = [0, 9216], sizes = [128, 128], strides = [1, 1]} : vector<128x16384xbf16> to vector<128x128xbf16>
      %dot_general3A_620 = arith.constant dense<0.000000e+00> : vector<40x128xf32>
      %dot_general3A_621 = tpu.matmul %slice3A_618, %slice3A_619, %dot_general3A_620 {dimension_numbers = #tpu.dot_dimension_numbers<[1], [0], [0], [1], [0, 0, 1, 1], [], []>, transpose_lhs_hint = false} : vector<40x128xbf16>, vector<128x128xbf16>, vector<40x128xf32> -> vector<40x128xf32>
      %mul3A_622 = arith.mulf %dot_general3A_621, %get3A_44 : vector<40x128xf32>
      %reduce_sum3A_623 = arith.constant dense<0.000000e+00> : vector<128xf32>
      %reduce_sum3A_624 = vector.multi_reduction <add>, %mul3A_622, %reduce_sum3A_623 [0] : vector<40x128xf32> to vector<128xf32>
      %broadcast_in_dim3A_625 = vector.shape_cast %reduce_sum3A_624 : vector<128xf32> to vector<1x128xf32>
      %slice3A_626 = vector.extract_strided_slice %convert_element_type3A_34 {offsets = [2336, 0], sizes = [40, 128], strides = [1, 1]} : vector<4160x128xbf16> to vector<40x128xbf16>
      %slice3A_627 = vector.extract_strided_slice %transpose3A {offsets = [0, 9344], sizes = [128, 128], strides = [1, 1]} : vector<128x16384xbf16> to vector<128x128xbf16>
      %dot_general3A_628 = arith.constant dense<0.000000e+00> : vector<40x128xf32>
      %dot_general3A_629 = tpu.matmul %slice3A_626, %slice3A_627, %dot_general3A_628 {dimension_numbers = #tpu.dot_dimension_numbers<[1], [0], [0], [1], [0, 0, 1, 1], [], []>, transpose_lhs_hint = false} : vector<40x128xbf16>, vector<128x128xbf16>, vector<40x128xf32> -> vector<40x128xf32>
      %mul3A_630 = arith.mulf %dot_general3A_629, %get3A_44 : vector<40x128xf32>
      %reduce_sum3A_631 = arith.constant dense<0.000000e+00> : vector<128xf32>
      %reduce_sum3A_632 = vector.multi_reduction <add>, %mul3A_630, %reduce_sum3A_631 [0] : vector<40x128xf32> to vector<128xf32>
      %broadcast_in_dim3A_633 = vector.shape_cast %reduce_sum3A_632 : vector<128xf32> to vector<1x128xf32>
      %slice3A_634 = vector.extract_strided_slice %convert_element_type3A_34 {offsets = [2368, 0], sizes = [40, 128], strides = [1, 1]} : vector<4160x128xbf16> to vector<40x128xbf16>
      %slice3A_635 = vector.extract_strided_slice %transpose3A {offsets = [0, 9472], sizes = [128, 128], strides = [1, 1]} : vector<128x16384xbf16> to vector<128x128xbf16>
      %dot_general3A_636 = arith.constant dense<0.000000e+00> : vector<40x128xf32>
      %dot_general3A_637 = tpu.matmul %slice3A_634, %slice3A_635, %dot_general3A_636 {dimension_numbers = #tpu.dot_dimension_numbers<[1], [0], [0], [1], [0, 0, 1, 1], [], []>, transpose_lhs_hint = false} : vector<40x128xbf16>, vector<128x128xbf16>, vector<40x128xf32> -> vector<40x128xf32>
      %mul3A_638 = arith.mulf %dot_general3A_637, %get3A_44 : vector<40x128xf32>
      %reduce_sum3A_639 = arith.constant dense<0.000000e+00> : vector<128xf32>
      %reduce_sum3A_640 = vector.multi_reduction <add>, %mul3A_638, %reduce_sum3A_639 [0] : vector<40x128xf32> to vector<128xf32>
      %broadcast_in_dim3A_641 = vector.shape_cast %reduce_sum3A_640 : vector<128xf32> to vector<1x128xf32>
      %slice3A_642 = vector.extract_strided_slice %convert_element_type3A_34 {offsets = [2400, 0], sizes = [40, 128], strides = [1, 1]} : vector<4160x128xbf16> to vector<40x128xbf16>
      %slice3A_643 = vector.extract_strided_slice %transpose3A {offsets = [0, 9600], sizes = [128, 128], strides = [1, 1]} : vector<128x16384xbf16> to vector<128x128xbf16>
      %dot_general3A_644 = arith.constant dense<0.000000e+00> : vector<40x128xf32>
      %dot_general3A_645 = tpu.matmul %slice3A_642, %slice3A_643, %dot_general3A_644 {dimension_numbers = #tpu.dot_dimension_numbers<[1], [0], [0], [1], [0, 0, 1, 1], [], []>, transpose_lhs_hint = false} : vector<40x128xbf16>, vector<128x128xbf16>, vector<40x128xf32> -> vector<40x128xf32>
      %mul3A_646 = arith.mulf %dot_general3A_645, %get3A_44 : vector<40x128xf32>
      %reduce_sum3A_647 = arith.constant dense<0.000000e+00> : vector<128xf32>
      %reduce_sum3A_648 = vector.multi_reduction <add>, %mul3A_646, %reduce_sum3A_647 [0] : vector<40x128xf32> to vector<128xf32>
      %broadcast_in_dim3A_649 = vector.shape_cast %reduce_sum3A_648 : vector<128xf32> to vector<1x128xf32>
      %slice3A_650 = vector.extract_strided_slice %convert_element_type3A_34 {offsets = [2432, 0], sizes = [40, 128], strides = [1, 1]} : vector<4160x128xbf16> to vector<40x128xbf16>
      %slice3A_651 = vector.extract_strided_slice %transpose3A {offsets = [0, 9728], sizes = [128, 128], strides = [1, 1]} : vector<128x16384xbf16> to vector<128x128xbf16>
      %dot_general3A_652 = arith.constant dense<0.000000e+00> : vector<40x128xf32>
      %dot_general3A_653 = tpu.matmul %slice3A_650, %slice3A_651, %dot_general3A_652 {dimension_numbers = #tpu.dot_dimension_numbers<[1], [0], [0], [1], [0, 0, 1, 1], [], []>, transpose_lhs_hint = false} : vector<40x128xbf16>, vector<128x128xbf16>, vector<40x128xf32> -> vector<40x128xf32>
      %mul3A_654 = arith.mulf %dot_general3A_653, %get3A_44 : vector<40x128xf32>
      %reduce_sum3A_655 = arith.constant dense<0.000000e+00> : vector<128xf32>
      %reduce_sum3A_656 = vector.multi_reduction <add>, %mul3A_654, %reduce_sum3A_655 [0] : vector<40x128xf32> to vector<128xf32>
      %broadcast_in_dim3A_657 = vector.shape_cast %reduce_sum3A_656 : vector<128xf32> to vector<1x128xf32>
      %slice3A_658 = vector.extract_strided_slice %convert_element_type3A_34 {offsets = [2464, 0], sizes = [40, 128], strides = [1, 1]} : vector<4160x128xbf16> to vector<40x128xbf16>
      %slice3A_659 = vector.extract_strided_slice %transpose3A {offsets = [0, 9856], sizes = [128, 128], strides = [1, 1]} : vector<128x16384xbf16> to vector<128x128xbf16>
      %dot_general3A_660 = arith.constant dense<0.000000e+00> : vector<40x128xf32>
      %dot_general3A_661 = tpu.matmul %slice3A_658, %slice3A_659, %dot_general3A_660 {dimension_numbers = #tpu.dot_dimension_numbers<[1], [0], [0], [1], [0, 0, 1, 1], [], []>, transpose_lhs_hint = false} : vector<40x128xbf16>, vector<128x128xbf16>, vector<40x128xf32> -> vector<40x128xf32>
      %mul3A_662 = arith.mulf %dot_general3A_661, %get3A_44 : vector<40x128xf32>
      %reduce_sum3A_663 = arith.constant dense<0.000000e+00> : vector<128xf32>
      %reduce_sum3A_664 = vector.multi_reduction <add>, %mul3A_662, %reduce_sum3A_663 [0] : vector<40x128xf32> to vector<128xf32>
      %broadcast_in_dim3A_665 = vector.shape_cast %reduce_sum3A_664 : vector<128xf32> to vector<1x128xf32>
      %slice3A_666 = vector.extract_strided_slice %convert_element_type3A_34 {offsets = [2496, 0], sizes = [40, 128], strides = [1, 1]} : vector<4160x128xbf16> to vector<40x128xbf16>
      %slice3A_667 = vector.extract_strided_slice %transpose3A {offsets = [0, 9984], sizes = [128, 128], strides = [1, 1]} : vector<128x16384xbf16> to vector<128x128xbf16>
      %dot_general3A_668 = arith.constant dense<0.000000e+00> : vector<40x128xf32>
      %dot_general3A_669 = tpu.matmul %slice3A_666, %slice3A_667, %dot_general3A_668 {dimension_numbers = #tpu.dot_dimension_numbers<[1], [0], [0], [1], [0, 0, 1, 1], [], []>, transpose_lhs_hint = false} : vector<40x128xbf16>, vector<128x128xbf16>, vector<40x128xf32> -> vector<40x128xf32>
      %mul3A_670 = arith.mulf %dot_general3A_669, %get3A_44 : vector<40x128xf32>
      %reduce_sum3A_671 = arith.constant dense<0.000000e+00> : vector<128xf32>
      %reduce_sum3A_672 = vector.multi_reduction <add>, %mul3A_670, %reduce_sum3A_671 [0] : vector<40x128xf32> to vector<128xf32>
      %broadcast_in_dim3A_673 = vector.shape_cast %reduce_sum3A_672 : vector<128xf32> to vector<1x128xf32>
      %slice3A_674 = vector.extract_strided_slice %convert_element_type3A_34 {offsets = [2528, 0], sizes = [40, 128], strides = [1, 1]} : vector<4160x128xbf16> to vector<40x128xbf16>
      %slice3A_675 = vector.extract_strided_slice %transpose3A {offsets = [0, 10112], sizes = [128, 128], strides = [1, 1]} : vector<128x16384xbf16> to vector<128x128xbf16>
      %dot_general3A_676 = arith.constant dense<0.000000e+00> : vector<40x128xf32>
      %dot_general3A_677 = tpu.matmul %slice3A_674, %slice3A_675, %dot_general3A_676 {dimension_numbers = #tpu.dot_dimension_numbers<[1], [0], [0], [1], [0, 0, 1, 1], [], []>, transpose_lhs_hint = false} : vector<40x128xbf16>, vector<128x128xbf16>, vector<40x128xf32> -> vector<40x128xf32>
      %mul3A_678 = arith.mulf %dot_general3A_677, %get3A_44 : vector<40x128xf32>
      %reduce_sum3A_679 = arith.constant dense<0.000000e+00> : vector<128xf32>
      %reduce_sum3A_680 = vector.multi_reduction <add>, %mul3A_678, %reduce_sum3A_679 [0] : vector<40x128xf32> to vector<128xf32>
      %broadcast_in_dim3A_681 = vector.shape_cast %reduce_sum3A_680 : vector<128xf32> to vector<1x128xf32>
      %slice3A_682 = vector.extract_strided_slice %convert_element_type3A_34 {offsets = [2560, 0], sizes = [40, 128], strides = [1, 1]} : vector<4160x128xbf16> to vector<40x128xbf16>
      %slice3A_683 = vector.extract_strided_slice %transpose3A {offsets = [0, 10240], sizes = [128, 128], strides = [1, 1]} : vector<128x16384xbf16> to vector<128x128xbf16>
      %dot_general3A_684 = arith.constant dense<0.000000e+00> : vector<40x128xf32>
      %dot_general3A_685 = tpu.matmul %slice3A_682, %slice3A_683, %dot_general3A_684 {dimension_numbers = #tpu.dot_dimension_numbers<[1], [0], [0], [1], [0, 0, 1, 1], [], []>, transpose_lhs_hint = false} : vector<40x128xbf16>, vector<128x128xbf16>, vector<40x128xf32> -> vector<40x128xf32>
      %mul3A_686 = arith.mulf %dot_general3A_685, %get3A_44 : vector<40x128xf32>
      %reduce_sum3A_687 = arith.constant dense<0.000000e+00> : vector<128xf32>
      %reduce_sum3A_688 = vector.multi_reduction <add>, %mul3A_686, %reduce_sum3A_687 [0] : vector<40x128xf32> to vector<128xf32>
      %broadcast_in_dim3A_689 = vector.shape_cast %reduce_sum3A_688 : vector<128xf32> to vector<1x128xf32>
      %slice3A_690 = vector.extract_strided_slice %convert_element_type3A_34 {offsets = [2592, 0], sizes = [40, 128], strides = [1, 1]} : vector<4160x128xbf16> to vector<40x128xbf16>
      %slice3A_691 = vector.extract_strided_slice %transpose3A {offsets = [0, 10368], sizes = [128, 128], strides = [1, 1]} : vector<128x16384xbf16> to vector<128x128xbf16>
      %dot_general3A_692 = arith.constant dense<0.000000e+00> : vector<40x128xf32>
      %dot_general3A_693 = tpu.matmul %slice3A_690, %slice3A_691, %dot_general3A_692 {dimension_numbers = #tpu.dot_dimension_numbers<[1], [0], [0], [1], [0, 0, 1, 1], [], []>, transpose_lhs_hint = false} : vector<40x128xbf16>, vector<128x128xbf16>, vector<40x128xf32> -> vector<40x128xf32>
      %mul3A_694 = arith.mulf %dot_general3A_693, %get3A_44 : vector<40x128xf32>
      %reduce_sum3A_695 = arith.constant dense<0.000000e+00> : vector<128xf32>
      %reduce_sum3A_696 = vector.multi_reduction <add>, %mul3A_694, %reduce_sum3A_695 [0] : vector<40x128xf32> to vector<128xf32>
      %broadcast_in_dim3A_697 = vector.shape_cast %reduce_sum3A_696 : vector<128xf32> to vector<1x128xf32>
      %slice3A_698 = vector.extract_strided_slice %convert_element_type3A_34 {offsets = [2624, 0], sizes = [40, 128], strides = [1, 1]} : vector<4160x128xbf16> to vector<40x128xbf16>
      %slice3A_699 = vector.extract_strided_slice %transpose3A {offsets = [0, 10496], sizes = [128, 128], strides = [1, 1]} : vector<128x16384xbf16> to vector<128x128xbf16>
      %dot_general3A_700 = arith.constant dense<0.000000e+00> : vector<40x128xf32>
      %dot_general3A_701 = tpu.matmul %slice3A_698, %slice3A_699, %dot_general3A_700 {dimension_numbers = #tpu.dot_dimension_numbers<[1], [0], [0], [1], [0, 0, 1, 1], [], []>, transpose_lhs_hint = false} : vector<40x128xbf16>, vector<128x128xbf16>, vector<40x128xf32> -> vector<40x128xf32>
      %mul3A_702 = arith.mulf %dot_general3A_701, %get3A_44 : vector<40x128xf32>
      %reduce_sum3A_703 = arith.constant dense<0.000000e+00> : vector<128xf32>
      %reduce_sum3A_704 = vector.multi_reduction <add>, %mul3A_702, %reduce_sum3A_703 [0] : vector<40x128xf32> to vector<128xf32>
      %broadcast_in_dim3A_705 = vector.shape_cast %reduce_sum3A_704 : vector<128xf32> to vector<1x128xf32>
      %slice3A_706 = vector.extract_strided_slice %convert_element_type3A_34 {offsets = [2656, 0], sizes = [40, 128], strides = [1, 1]} : vector<4160x128xbf16> to vector<40x128xbf16>
      %slice3A_707 = vector.extract_strided_slice %transpose3A {offsets = [0, 10624], sizes = [128, 128], strides = [1, 1]} : vector<128x16384xbf16> to vector<128x128xbf16>
      %dot_general3A_708 = arith.constant dense<0.000000e+00> : vector<40x128xf32>
      %dot_general3A_709 = tpu.matmul %slice3A_706, %slice3A_707, %dot_general3A_708 {dimension_numbers = #tpu.dot_dimension_numbers<[1], [0], [0], [1], [0, 0, 1, 1], [], []>, transpose_lhs_hint = false} : vector<40x128xbf16>, vector<128x128xbf16>, vector<40x128xf32> -> vector<40x128xf32>
      %mul3A_710 = arith.mulf %dot_general3A_709, %get3A_44 : vector<40x128xf32>
      %reduce_sum3A_711 = arith.constant dense<0.000000e+00> : vector<128xf32>
      %reduce_sum3A_712 = vector.multi_reduction <add>, %mul3A_710, %reduce_sum3A_711 [0] : vector<40x128xf32> to vector<128xf32>
      %broadcast_in_dim3A_713 = vector.shape_cast %reduce_sum3A_712 : vector<128xf32> to vector<1x128xf32>
      %slice3A_714 = vector.extract_strided_slice %convert_element_type3A_34 {offsets = [2688, 0], sizes = [40, 128], strides = [1, 1]} : vector<4160x128xbf16> to vector<40x128xbf16>
      %slice3A_715 = vector.extract_strided_slice %transpose3A {offsets = [0, 10752], sizes = [128, 128], strides = [1, 1]} : vector<128x16384xbf16> to vector<128x128xbf16>
      %dot_general3A_716 = arith.constant dense<0.000000e+00> : vector<40x128xf32>
      %dot_general3A_717 = tpu.matmul %slice3A_714, %slice3A_715, %dot_general3A_716 {dimension_numbers = #tpu.dot_dimension_numbers<[1], [0], [0], [1], [0, 0, 1, 1], [], []>, transpose_lhs_hint = false} : vector<40x128xbf16>, vector<128x128xbf16>, vector<40x128xf32> -> vector<40x128xf32>
      %mul3A_718 = arith.mulf %dot_general3A_717, %get3A_44 : vector<40x128xf32>
      %reduce_sum3A_719 = arith.constant dense<0.000000e+00> : vector<128xf32>
      %reduce_sum3A_720 = vector.multi_reduction <add>, %mul3A_718, %reduce_sum3A_719 [0] : vector<40x128xf32> to vector<128xf32>
      %broadcast_in_dim3A_721 = vector.shape_cast %reduce_sum3A_720 : vector<128xf32> to vector<1x128xf32>
      %slice3A_722 = vector.extract_strided_slice %convert_element_type3A_34 {offsets = [2720, 0], sizes = [40, 128], strides = [1, 1]} : vector<4160x128xbf16> to vector<40x128xbf16>
      %slice3A_723 = vector.extract_strided_slice %transpose3A {offsets = [0, 10880], sizes = [128, 128], strides = [1, 1]} : vector<128x16384xbf16> to vector<128x128xbf16>
      %dot_general3A_724 = arith.constant dense<0.000000e+00> : vector<40x128xf32>
      %dot_general3A_725 = tpu.matmul %slice3A_722, %slice3A_723, %dot_general3A_724 {dimension_numbers = #tpu.dot_dimension_numbers<[1], [0], [0], [1], [0, 0, 1, 1], [], []>, transpose_lhs_hint = false} : vector<40x128xbf16>, vector<128x128xbf16>, vector<40x128xf32> -> vector<40x128xf32>
      %mul3A_726 = arith.mulf %dot_general3A_725, %get3A_44 : vector<40x128xf32>
      %reduce_sum3A_727 = arith.constant dense<0.000000e+00> : vector<128xf32>
      %reduce_sum3A_728 = vector.multi_reduction <add>, %mul3A_726, %reduce_sum3A_727 [0] : vector<40x128xf32> to vector<128xf32>
      %broadcast_in_dim3A_729 = vector.shape_cast %reduce_sum3A_728 : vector<128xf32> to vector<1x128xf32>
      %slice3A_730 = vector.extract_strided_slice %convert_element_type3A_34 {offsets = [2752, 0], sizes = [40, 128], strides = [1, 1]} : vector<4160x128xbf16> to vector<40x128xbf16>
      %slice3A_731 = vector.extract_strided_slice %transpose3A {offsets = [0, 11008], sizes = [128, 128], strides = [1, 1]} : vector<128x16384xbf16> to vector<128x128xbf16>
      %dot_general3A_732 = arith.constant dense<0.000000e+00> : vector<40x128xf32>
      %dot_general3A_733 = tpu.matmul %slice3A_730, %slice3A_731, %dot_general3A_732 {dimension_numbers = #tpu.dot_dimension_numbers<[1], [0], [0], [1], [0, 0, 1, 1], [], []>, transpose_lhs_hint = false} : vector<40x128xbf16>, vector<128x128xbf16>, vector<40x128xf32> -> vector<40x128xf32>
      %mul3A_734 = arith.mulf %dot_general3A_733, %get3A_44 : vector<40x128xf32>
      %reduce_sum3A_735 = arith.constant dense<0.000000e+00> : vector<128xf32>
      %reduce_sum3A_736 = vector.multi_reduction <add>, %mul3A_734, %reduce_sum3A_735 [0] : vector<40x128xf32> to vector<128xf32>
      %broadcast_in_dim3A_737 = vector.shape_cast %reduce_sum3A_736 : vector<128xf32> to vector<1x128xf32>
      %slice3A_738 = vector.extract_strided_slice %convert_element_type3A_34 {offsets = [2784, 0], sizes = [40, 128], strides = [1, 1]} : vector<4160x128xbf16> to vector<40x128xbf16>
      %slice3A_739 = vector.extract_strided_slice %transpose3A {offsets = [0, 11136], sizes = [128, 128], strides = [1, 1]} : vector<128x16384xbf16> to vector<128x128xbf16>
      %dot_general3A_740 = arith.constant dense<0.000000e+00> : vector<40x128xf32>
      %dot_general3A_741 = tpu.matmul %slice3A_738, %slice3A_739, %dot_general3A_740 {dimension_numbers = #tpu.dot_dimension_numbers<[1], [0], [0], [1], [0, 0, 1, 1], [], []>, transpose_lhs_hint = false} : vector<40x128xbf16>, vector<128x128xbf16>, vector<40x128xf32> -> vector<40x128xf32>
      %mul3A_742 = arith.mulf %dot_general3A_741, %get3A_44 : vector<40x128xf32>
      %reduce_sum3A_743 = arith.constant dense<0.000000e+00> : vector<128xf32>
      %reduce_sum3A_744 = vector.multi_reduction <add>, %mul3A_742, %reduce_sum3A_743 [0] : vector<40x128xf32> to vector<128xf32>
      %broadcast_in_dim3A_745 = vector.shape_cast %reduce_sum3A_744 : vector<128xf32> to vector<1x128xf32>
      %slice3A_746 = vector.extract_strided_slice %convert_element_type3A_34 {offsets = [2816, 0], sizes = [40, 128], strides = [1, 1]} : vector<4160x128xbf16> to vector<40x128xbf16>
      %slice3A_747 = vector.extract_strided_slice %transpose3A {offsets = [0, 11264], sizes = [128, 128], strides = [1, 1]} : vector<128x16384xbf16> to vector<128x128xbf16>
      %dot_general3A_748 = arith.constant dense<0.000000e+00> : vector<40x128xf32>
      %dot_general3A_749 = tpu.matmul %slice3A_746, %slice3A_747, %dot_general3A_748 {dimension_numbers = #tpu.dot_dimension_numbers<[1], [0], [0], [1], [0, 0, 1, 1], [], []>, transpose_lhs_hint = false} : vector<40x128xbf16>, vector<128x128xbf16>, vector<40x128xf32> -> vector<40x128xf32>
      %mul3A_750 = arith.mulf %dot_general3A_749, %get3A_44 : vector<40x128xf32>
      %reduce_sum3A_751 = arith.constant dense<0.000000e+00> : vector<128xf32>
      %reduce_sum3A_752 = vector.multi_reduction <add>, %mul3A_750, %reduce_sum3A_751 [0] : vector<40x128xf32> to vector<128xf32>
      %broadcast_in_dim3A_753 = vector.shape_cast %reduce_sum3A_752 : vector<128xf32> to vector<1x128xf32>
      %slice3A_754 = vector.extract_strided_slice %convert_element_type3A_34 {offsets = [2848, 0], sizes = [40, 128], strides = [1, 1]} : vector<4160x128xbf16> to vector<40x128xbf16>
      %slice3A_755 = vector.extract_strided_slice %transpose3A {offsets = [0, 11392], sizes = [128, 128], strides = [1, 1]} : vector<128x16384xbf16> to vector<128x128xbf16>
      %dot_general3A_756 = arith.constant dense<0.000000e+00> : vector<40x128xf32>
      %dot_general3A_757 = tpu.matmul %slice3A_754, %slice3A_755, %dot_general3A_756 {dimension_numbers = #tpu.dot_dimension_numbers<[1], [0], [0], [1], [0, 0, 1, 1], [], []>, transpose_lhs_hint = false} : vector<40x128xbf16>, vector<128x128xbf16>, vector<40x128xf32> -> vector<40x128xf32>
      %mul3A_758 = arith.mulf %dot_general3A_757, %get3A_44 : vector<40x128xf32>
      %reduce_sum3A_759 = arith.constant dense<0.000000e+00> : vector<128xf32>
      %reduce_sum3A_760 = vector.multi_reduction <add>, %mul3A_758, %reduce_sum3A_759 [0] : vector<40x128xf32> to vector<128xf32>
      %broadcast_in_dim3A_761 = vector.shape_cast %reduce_sum3A_760 : vector<128xf32> to vector<1x128xf32>
      %slice3A_762 = vector.extract_strided_slice %convert_element_type3A_34 {offsets = [2880, 0], sizes = [40, 128], strides = [1, 1]} : vector<4160x128xbf16> to vector<40x128xbf16>
      %slice3A_763 = vector.extract_strided_slice %transpose3A {offsets = [0, 11520], sizes = [128, 128], strides = [1, 1]} : vector<128x16384xbf16> to vector<128x128xbf16>
      %dot_general3A_764 = arith.constant dense<0.000000e+00> : vector<40x128xf32>
      %dot_general3A_765 = tpu.matmul %slice3A_762, %slice3A_763, %dot_general3A_764 {dimension_numbers = #tpu.dot_dimension_numbers<[1], [0], [0], [1], [0, 0, 1, 1], [], []>, transpose_lhs_hint = false} : vector<40x128xbf16>, vector<128x128xbf16>, vector<40x128xf32> -> vector<40x128xf32>
      %mul3A_766 = arith.mulf %dot_general3A_765, %get3A_44 : vector<40x128xf32>
      %reduce_sum3A_767 = arith.constant dense<0.000000e+00> : vector<128xf32>
      %reduce_sum3A_768 = vector.multi_reduction <add>, %mul3A_766, %reduce_sum3A_767 [0] : vector<40x128xf32> to vector<128xf32>
      %broadcast_in_dim3A_769 = vector.shape_cast %reduce_sum3A_768 : vector<128xf32> to vector<1x128xf32>
      %slice3A_770 = vector.extract_strided_slice %convert_element_type3A_34 {offsets = [2912, 0], sizes = [40, 128], strides = [1, 1]} : vector<4160x128xbf16> to vector<40x128xbf16>
      %slice3A_771 = vector.extract_strided_slice %transpose3A {offsets = [0, 11648], sizes = [128, 128], strides = [1, 1]} : vector<128x16384xbf16> to vector<128x128xbf16>
      %dot_general3A_772 = arith.constant dense<0.000000e+00> : vector<40x128xf32>
      %dot_general3A_773 = tpu.matmul %slice3A_770, %slice3A_771, %dot_general3A_772 {dimension_numbers = #tpu.dot_dimension_numbers<[1], [0], [0], [1], [0, 0, 1, 1], [], []>, transpose_lhs_hint = false} : vector<40x128xbf16>, vector<128x128xbf16>, vector<40x128xf32> -> vector<40x128xf32>
      %mul3A_774 = arith.mulf %dot_general3A_773, %get3A_44 : vector<40x128xf32>
      %reduce_sum3A_775 = arith.constant dense<0.000000e+00> : vector<128xf32>
      %reduce_sum3A_776 = vector.multi_reduction <add>, %mul3A_774, %reduce_sum3A_775 [0] : vector<40x128xf32> to vector<128xf32>
      %broadcast_in_dim3A_777 = vector.shape_cast %reduce_sum3A_776 : vector<128xf32> to vector<1x128xf32>
      %slice3A_778 = vector.extract_strided_slice %convert_element_type3A_34 {offsets = [2944, 0], sizes = [40, 128], strides = [1, 1]} : vector<4160x128xbf16> to vector<40x128xbf16>
      %slice3A_779 = vector.extract_strided_slice %transpose3A {offsets = [0, 11776], sizes = [128, 128], strides = [1, 1]} : vector<128x16384xbf16> to vector<128x128xbf16>
      %dot_general3A_780 = arith.constant dense<0.000000e+00> : vector<40x128xf32>
      %dot_general3A_781 = tpu.matmul %slice3A_778, %slice3A_779, %dot_general3A_780 {dimension_numbers = #tpu.dot_dimension_numbers<[1], [0], [0], [1], [0, 0, 1, 1], [], []>, transpose_lhs_hint = false} : vector<40x128xbf16>, vector<128x128xbf16>, vector<40x128xf32> -> vector<40x128xf32>
      %mul3A_782 = arith.mulf %dot_general3A_781, %get3A_44 : vector<40x128xf32>
      %reduce_sum3A_783 = arith.constant dense<0.000000e+00> : vector<128xf32>
      %reduce_sum3A_784 = vector.multi_reduction <add>, %mul3A_782, %reduce_sum3A_783 [0] : vector<40x128xf32> to vector<128xf32>
      %broadcast_in_dim3A_785 = vector.shape_cast %reduce_sum3A_784 : vector<128xf32> to vector<1x128xf32>
      %slice3A_786 = vector.extract_strided_slice %convert_element_type3A_34 {offsets = [2976, 0], sizes = [40, 128], strides = [1, 1]} : vector<4160x128xbf16> to vector<40x128xbf16>
      %slice3A_787 = vector.extract_strided_slice %transpose3A {offsets = [0, 11904], sizes = [128, 128], strides = [1, 1]} : vector<128x16384xbf16> to vector<128x128xbf16>
      %dot_general3A_788 = arith.constant dense<0.000000e+00> : vector<40x128xf32>
      %dot_general3A_789 = tpu.matmul %slice3A_786, %slice3A_787, %dot_general3A_788 {dimension_numbers = #tpu.dot_dimension_numbers<[1], [0], [0], [1], [0, 0, 1, 1], [], []>, transpose_lhs_hint = false} : vector<40x128xbf16>, vector<128x128xbf16>, vector<40x128xf32> -> vector<40x128xf32>
      %mul3A_790 = arith.mulf %dot_general3A_789, %get3A_44 : vector<40x128xf32>
      %reduce_sum3A_791 = arith.constant dense<0.000000e+00> : vector<128xf32>
      %reduce_sum3A_792 = vector.multi_reduction <add>, %mul3A_790, %reduce_sum3A_791 [0] : vector<40x128xf32> to vector<128xf32>
      %broadcast_in_dim3A_793 = vector.shape_cast %reduce_sum3A_792 : vector<128xf32> to vector<1x128xf32>
      %slice3A_794 = vector.extract_strided_slice %convert_element_type3A_34 {offsets = [3008, 0], sizes = [40, 128], strides = [1, 1]} : vector<4160x128xbf16> to vector<40x128xbf16>
      %slice3A_795 = vector.extract_strided_slice %transpose3A {offsets = [0, 12032], sizes = [128, 128], strides = [1, 1]} : vector<128x16384xbf16> to vector<128x128xbf16>
      %dot_general3A_796 = arith.constant dense<0.000000e+00> : vector<40x128xf32>
      %dot_general3A_797 = tpu.matmul %slice3A_794, %slice3A_795, %dot_general3A_796 {dimension_numbers = #tpu.dot_dimension_numbers<[1], [0], [0], [1], [0, 0, 1, 1], [], []>, transpose_lhs_hint = false} : vector<40x128xbf16>, vector<128x128xbf16>, vector<40x128xf32> -> vector<40x128xf32>
      %mul3A_798 = arith.mulf %dot_general3A_797, %get3A_44 : vector<40x128xf32>
      %reduce_sum3A_799 = arith.constant dense<0.000000e+00> : vector<128xf32>
      %reduce_sum3A_800 = vector.multi_reduction <add>, %mul3A_798, %reduce_sum3A_799 [0] : vector<40x128xf32> to vector<128xf32>
      %broadcast_in_dim3A_801 = vector.shape_cast %reduce_sum3A_800 : vector<128xf32> to vector<1x128xf32>
      %slice3A_802 = vector.extract_strided_slice %convert_element_type3A_34 {offsets = [3040, 0], sizes = [40, 128], strides = [1, 1]} : vector<4160x128xbf16> to vector<40x128xbf16>
      %slice3A_803 = vector.extract_strided_slice %transpose3A {offsets = [0, 12160], sizes = [128, 128], strides = [1, 1]} : vector<128x16384xbf16> to vector<128x128xbf16>
      %dot_general3A_804 = arith.constant dense<0.000000e+00> : vector<40x128xf32>
      %dot_general3A_805 = tpu.matmul %slice3A_802, %slice3A_803, %dot_general3A_804 {dimension_numbers = #tpu.dot_dimension_numbers<[1], [0], [0], [1], [0, 0, 1, 1], [], []>, transpose_lhs_hint = false} : vector<40x128xbf16>, vector<128x128xbf16>, vector<40x128xf32> -> vector<40x128xf32>
      %mul3A_806 = arith.mulf %dot_general3A_805, %get3A_44 : vector<40x128xf32>
      %reduce_sum3A_807 = arith.constant dense<0.000000e+00> : vector<128xf32>
      %reduce_sum3A_808 = vector.multi_reduction <add>, %mul3A_806, %reduce_sum3A_807 [0] : vector<40x128xf32> to vector<128xf32>
      %broadcast_in_dim3A_809 = vector.shape_cast %reduce_sum3A_808 : vector<128xf32> to vector<1x128xf32>
      %slice3A_810 = vector.extract_strided_slice %convert_element_type3A_34 {offsets = [3072, 0], sizes = [40, 128], strides = [1, 1]} : vector<4160x128xbf16> to vector<40x128xbf16>
      %slice3A_811 = vector.extract_strided_slice %transpose3A {offsets = [0, 12288], sizes = [128, 128], strides = [1, 1]} : vector<128x16384xbf16> to vector<128x128xbf16>
      %dot_general3A_812 = arith.constant dense<0.000000e+00> : vector<40x128xf32>
      %dot_general3A_813 = tpu.matmul %slice3A_810, %slice3A_811, %dot_general3A_812 {dimension_numbers = #tpu.dot_dimension_numbers<[1], [0], [0], [1], [0, 0, 1, 1], [], []>, transpose_lhs_hint = false} : vector<40x128xbf16>, vector<128x128xbf16>, vector<40x128xf32> -> vector<40x128xf32>
      %mul3A_814 = arith.mulf %dot_general3A_813, %get3A_44 : vector<40x128xf32>
      %reduce_sum3A_815 = arith.constant dense<0.000000e+00> : vector<128xf32>
      %reduce_sum3A_816 = vector.multi_reduction <add>, %mul3A_814, %reduce_sum3A_815 [0] : vector<40x128xf32> to vector<128xf32>
      %broadcast_in_dim3A_817 = vector.shape_cast %reduce_sum3A_816 : vector<128xf32> to vector<1x128xf32>
      %slice3A_818 = vector.extract_strided_slice %convert_element_type3A_34 {offsets = [3104, 0], sizes = [40, 128], strides = [1, 1]} : vector<4160x128xbf16> to vector<40x128xbf16>
      %slice3A_819 = vector.extract_strided_slice %transpose3A {offsets = [0, 12416], sizes = [128, 128], strides = [1, 1]} : vector<128x16384xbf16> to vector<128x128xbf16>
      %dot_general3A_820 = arith.constant dense<0.000000e+00> : vector<40x128xf32>
      %dot_general3A_821 = tpu.matmul %slice3A_818, %slice3A_819, %dot_general3A_820 {dimension_numbers = #tpu.dot_dimension_numbers<[1], [0], [0], [1], [0, 0, 1, 1], [], []>, transpose_lhs_hint = false} : vector<40x128xbf16>, vector<128x128xbf16>, vector<40x128xf32> -> vector<40x128xf32>
      %mul3A_822 = arith.mulf %dot_general3A_821, %get3A_44 : vector<40x128xf32>
      %reduce_sum3A_823 = arith.constant dense<0.000000e+00> : vector<128xf32>
      %reduce_sum3A_824 = vector.multi_reduction <add>, %mul3A_822, %reduce_sum3A_823 [0] : vector<40x128xf32> to vector<128xf32>
      %broadcast_in_dim3A_825 = vector.shape_cast %reduce_sum3A_824 : vector<128xf32> to vector<1x128xf32>
      %slice3A_826 = vector.extract_strided_slice %convert_element_type3A_34 {offsets = [3136, 0], sizes = [40, 128], strides = [1, 1]} : vector<4160x128xbf16> to vector<40x128xbf16>
      %slice3A_827 = vector.extract_strided_slice %transpose3A {offsets = [0, 12544], sizes = [128, 128], strides = [1, 1]} : vector<128x16384xbf16> to vector<128x128xbf16>
      %dot_general3A_828 = arith.constant dense<0.000000e+00> : vector<40x128xf32>
      %dot_general3A_829 = tpu.matmul %slice3A_826, %slice3A_827, %dot_general3A_828 {dimension_numbers = #tpu.dot_dimension_numbers<[1], [0], [0], [1], [0, 0, 1, 1], [], []>, transpose_lhs_hint = false} : vector<40x128xbf16>, vector<128x128xbf16>, vector<40x128xf32> -> vector<40x128xf32>
      %mul3A_830 = arith.mulf %dot_general3A_829, %get3A_44 : vector<40x128xf32>
      %reduce_sum3A_831 = arith.constant dense<0.000000e+00> : vector<128xf32>
      %reduce_sum3A_832 = vector.multi_reduction <add>, %mul3A_830, %reduce_sum3A_831 [0] : vector<40x128xf32> to vector<128xf32>
      %broadcast_in_dim3A_833 = vector.shape_cast %reduce_sum3A_832 : vector<128xf32> to vector<1x128xf32>
      %slice3A_834 = vector.extract_strided_slice %convert_element_type3A_34 {offsets = [3168, 0], sizes = [40, 128], strides = [1, 1]} : vector<4160x128xbf16> to vector<40x128xbf16>
      %slice3A_835 = vector.extract_strided_slice %transpose3A {offsets = [0, 12672], sizes = [128, 128], strides = [1, 1]} : vector<128x16384xbf16> to vector<128x128xbf16>
      %dot_general3A_836 = arith.constant dense<0.000000e+00> : vector<40x128xf32>
      %dot_general3A_837 = tpu.matmul %slice3A_834, %slice3A_835, %dot_general3A_836 {dimension_numbers = #tpu.dot_dimension_numbers<[1], [0], [0], [1], [0, 0, 1, 1], [], []>, transpose_lhs_hint = false} : vector<40x128xbf16>, vector<128x128xbf16>, vector<40x128xf32> -> vector<40x128xf32>
      %mul3A_838 = arith.mulf %dot_general3A_837, %get3A_44 : vector<40x128xf32>
      %reduce_sum3A_839 = arith.constant dense<0.000000e+00> : vector<128xf32>
      %reduce_sum3A_840 = vector.multi_reduction <add>, %mul3A_838, %reduce_sum3A_839 [0] : vector<40x128xf32> to vector<128xf32>
      %broadcast_in_dim3A_841 = vector.shape_cast %reduce_sum3A_840 : vector<128xf32> to vector<1x128xf32>
      %slice3A_842 = vector.extract_strided_slice %convert_element_type3A_34 {offsets = [3200, 0], sizes = [40, 128], strides = [1, 1]} : vector<4160x128xbf16> to vector<40x128xbf16>
      %slice3A_843 = vector.extract_strided_slice %transpose3A {offsets = [0, 12800], sizes = [128, 128], strides = [1, 1]} : vector<128x16384xbf16> to vector<128x128xbf16>
      %dot_general3A_844 = arith.constant dense<0.000000e+00> : vector<40x128xf32>
      %dot_general3A_845 = tpu.matmul %slice3A_842, %slice3A_843, %dot_general3A_844 {dimension_numbers = #tpu.dot_dimension_numbers<[1], [0], [0], [1], [0, 0, 1, 1], [], []>, transpose_lhs_hint = false} : vector<40x128xbf16>, vector<128x128xbf16>, vector<40x128xf32> -> vector<40x128xf32>
      %mul3A_846 = arith.mulf %dot_general3A_845, %get3A_44 : vector<40x128xf32>
      %reduce_sum3A_847 = arith.constant dense<0.000000e+00> : vector<128xf32>
      %reduce_sum3A_848 = vector.multi_reduction <add>, %mul3A_846, %reduce_sum3A_847 [0] : vector<40x128xf32> to vector<128xf32>
      %broadcast_in_dim3A_849 = vector.shape_cast %reduce_sum3A_848 : vector<128xf32> to vector<1x128xf32>
      %slice3A_850 = vector.extract_strided_slice %convert_element_type3A_34 {offsets = [3232, 0], sizes = [40, 128], strides = [1, 1]} : vector<4160x128xbf16> to vector<40x128xbf16>
      %slice3A_851 = vector.extract_strided_slice %transpose3A {offsets = [0, 12928], sizes = [128, 128], strides = [1, 1]} : vector<128x16384xbf16> to vector<128x128xbf16>
      %dot_general3A_852 = arith.constant dense<0.000000e+00> : vector<40x128xf32>
      %dot_general3A_853 = tpu.matmul %slice3A_850, %slice3A_851, %dot_general3A_852 {dimension_numbers = #tpu.dot_dimension_numbers<[1], [0], [0], [1], [0, 0, 1, 1], [], []>, transpose_lhs_hint = false} : vector<40x128xbf16>, vector<128x128xbf16>, vector<40x128xf32> -> vector<40x128xf32>
      %mul3A_854 = arith.mulf %dot_general3A_853, %get3A_44 : vector<40x128xf32>
      %reduce_sum3A_855 = arith.constant dense<0.000000e+00> : vector<128xf32>
      %reduce_sum3A_856 = vector.multi_reduction <add>, %mul3A_854, %reduce_sum3A_855 [0] : vector<40x128xf32> to vector<128xf32>
      %broadcast_in_dim3A_857 = vector.shape_cast %reduce_sum3A_856 : vector<128xf32> to vector<1x128xf32>
      %slice3A_858 = vector.extract_strided_slice %convert_element_type3A_34 {offsets = [3264, 0], sizes = [40, 128], strides = [1, 1]} : vector<4160x128xbf16> to vector<40x128xbf16>
      %slice3A_859 = vector.extract_strided_slice %transpose3A {offsets = [0, 13056], sizes = [128, 128], strides = [1, 1]} : vector<128x16384xbf16> to vector<128x128xbf16>
      %dot_general3A_860 = arith.constant dense<0.000000e+00> : vector<40x128xf32>
      %dot_general3A_861 = tpu.matmul %slice3A_858, %slice3A_859, %dot_general3A_860 {dimension_numbers = #tpu.dot_dimension_numbers<[1], [0], [0], [1], [0, 0, 1, 1], [], []>, transpose_lhs_hint = false} : vector<40x128xbf16>, vector<128x128xbf16>, vector<40x128xf32> -> vector<40x128xf32>
      %mul3A_862 = arith.mulf %dot_general3A_861, %get3A_44 : vector<40x128xf32>
      %reduce_sum3A_863 = arith.constant dense<0.000000e+00> : vector<128xf32>
      %reduce_sum3A_864 = vector.multi_reduction <add>, %mul3A_862, %reduce_sum3A_863 [0] : vector<40x128xf32> to vector<128xf32>
      %broadcast_in_dim3A_865 = vector.shape_cast %reduce_sum3A_864 : vector<128xf32> to vector<1x128xf32>
      %slice3A_866 = vector.extract_strided_slice %convert_element_type3A_34 {offsets = [3296, 0], sizes = [40, 128], strides = [1, 1]} : vector<4160x128xbf16> to vector<40x128xbf16>
      %slice3A_867 = vector.extract_strided_slice %transpose3A {offsets = [0, 13184], sizes = [128, 128], strides = [1, 1]} : vector<128x16384xbf16> to vector<128x128xbf16>
      %dot_general3A_868 = arith.constant dense<0.000000e+00> : vector<40x128xf32>
      %dot_general3A_869 = tpu.matmul %slice3A_866, %slice3A_867, %dot_general3A_868 {dimension_numbers = #tpu.dot_dimension_numbers<[1], [0], [0], [1], [0, 0, 1, 1], [], []>, transpose_lhs_hint = false} : vector<40x128xbf16>, vector<128x128xbf16>, vector<40x128xf32> -> vector<40x128xf32>
      %mul3A_870 = arith.mulf %dot_general3A_869, %get3A_44 : vector<40x128xf32>
      %reduce_sum3A_871 = arith.constant dense<0.000000e+00> : vector<128xf32>
      %reduce_sum3A_872 = vector.multi_reduction <add>, %mul3A_870, %reduce_sum3A_871 [0] : vector<40x128xf32> to vector<128xf32>
      %broadcast_in_dim3A_873 = vector.shape_cast %reduce_sum3A_872 : vector<128xf32> to vector<1x128xf32>
      %slice3A_874 = vector.extract_strided_slice %convert_element_type3A_34 {offsets = [3328, 0], sizes = [40, 128], strides = [1, 1]} : vector<4160x128xbf16> to vector<40x128xbf16>
      %slice3A_875 = vector.extract_strided_slice %transpose3A {offsets = [0, 13312], sizes = [128, 128], strides = [1, 1]} : vector<128x16384xbf16> to vector<128x128xbf16>
      %dot_general3A_876 = arith.constant dense<0.000000e+00> : vector<40x128xf32>
      %dot_general3A_877 = tpu.matmul %slice3A_874, %slice3A_875, %dot_general3A_876 {dimension_numbers = #tpu.dot_dimension_numbers<[1], [0], [0], [1], [0, 0, 1, 1], [], []>, transpose_lhs_hint = false} : vector<40x128xbf16>, vector<128x128xbf16>, vector<40x128xf32> -> vector<40x128xf32>
      %mul3A_878 = arith.mulf %dot_general3A_877, %get3A_44 : vector<40x128xf32>
      %reduce_sum3A_879 = arith.constant dense<0.000000e+00> : vector<128xf32>
      %reduce_sum3A_880 = vector.multi_reduction <add>, %mul3A_878, %reduce_sum3A_879 [0] : vector<40x128xf32> to vector<128xf32>
      %broadcast_in_dim3A_881 = vector.shape_cast %reduce_sum3A_880 : vector<128xf32> to vector<1x128xf32>
      %slice3A_882 = vector.extract_strided_slice %convert_element_type3A_34 {offsets = [3360, 0], sizes = [40, 128], strides = [1, 1]} : vector<4160x128xbf16> to vector<40x128xbf16>
      %slice3A_883 = vector.extract_strided_slice %transpose3A {offsets = [0, 13440], sizes = [128, 128], strides = [1, 1]} : vector<128x16384xbf16> to vector<128x128xbf16>
      %dot_general3A_884 = arith.constant dense<0.000000e+00> : vector<40x128xf32>
      %dot_general3A_885 = tpu.matmul %slice3A_882, %slice3A_883, %dot_general3A_884 {dimension_numbers = #tpu.dot_dimension_numbers<[1], [0], [0], [1], [0, 0, 1, 1], [], []>, transpose_lhs_hint = false} : vector<40x128xbf16>, vector<128x128xbf16>, vector<40x128xf32> -> vector<40x128xf32>
      %mul3A_886 = arith.mulf %dot_general3A_885, %get3A_44 : vector<40x128xf32>
      %reduce_sum3A_887 = arith.constant dense<0.000000e+00> : vector<128xf32>
      %reduce_sum3A_888 = vector.multi_reduction <add>, %mul3A_886, %reduce_sum3A_887 [0] : vector<40x128xf32> to vector<128xf32>
      %broadcast_in_dim3A_889 = vector.shape_cast %reduce_sum3A_888 : vector<128xf32> to vector<1x128xf32>
      %slice3A_890 = vector.extract_strided_slice %convert_element_type3A_34 {offsets = [3392, 0], sizes = [40, 128], strides = [1, 1]} : vector<4160x128xbf16> to vector<40x128xbf16>
      %slice3A_891 = vector.extract_strided_slice %transpose3A {offsets = [0, 13568], sizes = [128, 128], strides = [1, 1]} : vector<128x16384xbf16> to vector<128x128xbf16>
      %dot_general3A_892 = arith.constant dense<0.000000e+00> : vector<40x128xf32>
      %dot_general3A_893 = tpu.matmul %slice3A_890, %slice3A_891, %dot_general3A_892 {dimension_numbers = #tpu.dot_dimension_numbers<[1], [0], [0], [1], [0, 0, 1, 1], [], []>, transpose_lhs_hint = false} : vector<40x128xbf16>, vector<128x128xbf16>, vector<40x128xf32> -> vector<40x128xf32>
      %mul3A_894 = arith.mulf %dot_general3A_893, %get3A_44 : vector<40x128xf32>
      %reduce_sum3A_895 = arith.constant dense<0.000000e+00> : vector<128xf32>
      %reduce_sum3A_896 = vector.multi_reduction <add>, %mul3A_894, %reduce_sum3A_895 [0] : vector<40x128xf32> to vector<128xf32>
      %broadcast_in_dim3A_897 = vector.shape_cast %reduce_sum3A_896 : vector<128xf32> to vector<1x128xf32>
      %slice3A_898 = vector.extract_strided_slice %convert_element_type3A_34 {offsets = [3424, 0], sizes = [40, 128], strides = [1, 1]} : vector<4160x128xbf16> to vector<40x128xbf16>
      %slice3A_899 = vector.extract_strided_slice %transpose3A {offsets = [0, 13696], sizes = [128, 128], strides = [1, 1]} : vector<128x16384xbf16> to vector<128x128xbf16>
      %dot_general3A_900 = arith.constant dense<0.000000e+00> : vector<40x128xf32>
      %dot_general3A_901 = tpu.matmul %slice3A_898, %slice3A_899, %dot_general3A_900 {dimension_numbers = #tpu.dot_dimension_numbers<[1], [0], [0], [1], [0, 0, 1, 1], [], []>, transpose_lhs_hint = false} : vector<40x128xbf16>, vector<128x128xbf16>, vector<40x128xf32> -> vector<40x128xf32>
      %mul3A_902 = arith.mulf %dot_general3A_901, %get3A_44 : vector<40x128xf32>
      %reduce_sum3A_903 = arith.constant dense<0.000000e+00> : vector<128xf32>
      %reduce_sum3A_904 = vector.multi_reduction <add>, %mul3A_902, %reduce_sum3A_903 [0] : vector<40x128xf32> to vector<128xf32>
      %broadcast_in_dim3A_905 = vector.shape_cast %reduce_sum3A_904 : vector<128xf32> to vector<1x128xf32>
      %slice3A_906 = vector.extract_strided_slice %convert_element_type3A_34 {offsets = [3456, 0], sizes = [40, 128], strides = [1, 1]} : vector<4160x128xbf16> to vector<40x128xbf16>
      %slice3A_907 = vector.extract_strided_slice %transpose3A {offsets = [0, 13824], sizes = [128, 128], strides = [1, 1]} : vector<128x16384xbf16> to vector<128x128xbf16>
      %dot_general3A_908 = arith.constant dense<0.000000e+00> : vector<40x128xf32>
      %dot_general3A_909 = tpu.matmul %slice3A_906, %slice3A_907, %dot_general3A_908 {dimension_numbers = #tpu.dot_dimension_numbers<[1], [0], [0], [1], [0, 0, 1, 1], [], []>, transpose_lhs_hint = false} : vector<40x128xbf16>, vector<128x128xbf16>, vector<40x128xf32> -> vector<40x128xf32>
      %mul3A_910 = arith.mulf %dot_general3A_909, %get3A_44 : vector<40x128xf32>
      %reduce_sum3A_911 = arith.constant dense<0.000000e+00> : vector<128xf32>
      %reduce_sum3A_912 = vector.multi_reduction <add>, %mul3A_910, %reduce_sum3A_911 [0] : vector<40x128xf32> to vector<128xf32>
      %broadcast_in_dim3A_913 = vector.shape_cast %reduce_sum3A_912 : vector<128xf32> to vector<1x128xf32>
      %slice3A_914 = vector.extract_strided_slice %convert_element_type3A_34 {offsets = [3488, 0], sizes = [40, 128], strides = [1, 1]} : vector<4160x128xbf16> to vector<40x128xbf16>
      %slice3A_915 = vector.extract_strided_slice %transpose3A {offsets = [0, 13952], sizes = [128, 128], strides = [1, 1]} : vector<128x16384xbf16> to vector<128x128xbf16>
      %dot_general3A_916 = arith.constant dense<0.000000e+00> : vector<40x128xf32>
      %dot_general3A_917 = tpu.matmul %slice3A_914, %slice3A_915, %dot_general3A_916 {dimension_numbers = #tpu.dot_dimension_numbers<[1], [0], [0], [1], [0, 0, 1, 1], [], []>, transpose_lhs_hint = false} : vector<40x128xbf16>, vector<128x128xbf16>, vector<40x128xf32> -> vector<40x128xf32>
      %mul3A_918 = arith.mulf %dot_general3A_917, %get3A_44 : vector<40x128xf32>
      %reduce_sum3A_919 = arith.constant dense<0.000000e+00> : vector<128xf32>
      %reduce_sum3A_920 = vector.multi_reduction <add>, %mul3A_918, %reduce_sum3A_919 [0] : vector<40x128xf32> to vector<128xf32>
      %broadcast_in_dim3A_921 = vector.shape_cast %reduce_sum3A_920 : vector<128xf32> to vector<1x128xf32>
      %slice3A_922 = vector.extract_strided_slice %convert_element_type3A_34 {offsets = [3520, 0], sizes = [40, 128], strides = [1, 1]} : vector<4160x128xbf16> to vector<40x128xbf16>
      %slice3A_923 = vector.extract_strided_slice %transpose3A {offsets = [0, 14080], sizes = [128, 128], strides = [1, 1]} : vector<128x16384xbf16> to vector<128x128xbf16>
      %dot_general3A_924 = arith.constant dense<0.000000e+00> : vector<40x128xf32>
      %dot_general3A_925 = tpu.matmul %slice3A_922, %slice3A_923, %dot_general3A_924 {dimension_numbers = #tpu.dot_dimension_numbers<[1], [0], [0], [1], [0, 0, 1, 1], [], []>, transpose_lhs_hint = false} : vector<40x128xbf16>, vector<128x128xbf16>, vector<40x128xf32> -> vector<40x128xf32>
      %mul3A_926 = arith.mulf %dot_general3A_925, %get3A_44 : vector<40x128xf32>
      %reduce_sum3A_927 = arith.constant dense<0.000000e+00> : vector<128xf32>
      %reduce_sum3A_928 = vector.multi_reduction <add>, %mul3A_926, %reduce_sum3A_927 [0] : vector<40x128xf32> to vector<128xf32>
      %broadcast_in_dim3A_929 = vector.shape_cast %reduce_sum3A_928 : vector<128xf32> to vector<1x128xf32>
      %slice3A_930 = vector.extract_strided_slice %convert_element_type3A_34 {offsets = [3552, 0], sizes = [40, 128], strides = [1, 1]} : vector<4160x128xbf16> to vector<40x128xbf16>
      %slice3A_931 = vector.extract_strided_slice %transpose3A {offsets = [0, 14208], sizes = [128, 128], strides = [1, 1]} : vector<128x16384xbf16> to vector<128x128xbf16>
      %dot_general3A_932 = arith.constant dense<0.000000e+00> : vector<40x128xf32>
      %dot_general3A_933 = tpu.matmul %slice3A_930, %slice3A_931, %dot_general3A_932 {dimension_numbers = #tpu.dot_dimension_numbers<[1], [0], [0], [1], [0, 0, 1, 1], [], []>, transpose_lhs_hint = false} : vector<40x128xbf16>, vector<128x128xbf16>, vector<40x128xf32> -> vector<40x128xf32>
      %mul3A_934 = arith.mulf %dot_general3A_933, %get3A_44 : vector<40x128xf32>
      %reduce_sum3A_935 = arith.constant dense<0.000000e+00> : vector<128xf32>
      %reduce_sum3A_936 = vector.multi_reduction <add>, %mul3A_934, %reduce_sum3A_935 [0] : vector<40x128xf32> to vector<128xf32>
      %broadcast_in_dim3A_937 = vector.shape_cast %reduce_sum3A_936 : vector<128xf32> to vector<1x128xf32>
      %slice3A_938 = vector.extract_strided_slice %convert_element_type3A_34 {offsets = [3584, 0], sizes = [40, 128], strides = [1, 1]} : vector<4160x128xbf16> to vector<40x128xbf16>
      %slice3A_939 = vector.extract_strided_slice %transpose3A {offsets = [0, 14336], sizes = [128, 128], strides = [1, 1]} : vector<128x16384xbf16> to vector<128x128xbf16>
      %dot_general3A_940 = arith.constant dense<0.000000e+00> : vector<40x128xf32>
      %dot_general3A_941 = tpu.matmul %slice3A_938, %slice3A_939, %dot_general3A_940 {dimension_numbers = #tpu.dot_dimension_numbers<[1], [0], [0], [1], [0, 0, 1, 1], [], []>, transpose_lhs_hint = false} : vector<40x128xbf16>, vector<128x128xbf16>, vector<40x128xf32> -> vector<40x128xf32>
      %mul3A_942 = arith.mulf %dot_general3A_941, %get3A_44 : vector<40x128xf32>
      %reduce_sum3A_943 = arith.constant dense<0.000000e+00> : vector<128xf32>
      %reduce_sum3A_944 = vector.multi_reduction <add>, %mul3A_942, %reduce_sum3A_943 [0] : vector<40x128xf32> to vector<128xf32>
      %broadcast_in_dim3A_945 = vector.shape_cast %reduce_sum3A_944 : vector<128xf32> to vector<1x128xf32>
      %slice3A_946 = vector.extract_strided_slice %convert_element_type3A_34 {offsets = [3616, 0], sizes = [40, 128], strides = [1, 1]} : vector<4160x128xbf16> to vector<40x128xbf16>
      %slice3A_947 = vector.extract_strided_slice %transpose3A {offsets = [0, 14464], sizes = [128, 128], strides = [1, 1]} : vector<128x16384xbf16> to vector<128x128xbf16>
      %dot_general3A_948 = arith.constant dense<0.000000e+00> : vector<40x128xf32>
      %dot_general3A_949 = tpu.matmul %slice3A_946, %slice3A_947, %dot_general3A_948 {dimension_numbers = #tpu.dot_dimension_numbers<[1], [0], [0], [1], [0, 0, 1, 1], [], []>, transpose_lhs_hint = false} : vector<40x128xbf16>, vector<128x128xbf16>, vector<40x128xf32> -> vector<40x128xf32>
      %mul3A_950 = arith.mulf %dot_general3A_949, %get3A_44 : vector<40x128xf32>
      %reduce_sum3A_951 = arith.constant dense<0.000000e+00> : vector<128xf32>
      %reduce_sum3A_952 = vector.multi_reduction <add>, %mul3A_950, %reduce_sum3A_951 [0] : vector<40x128xf32> to vector<128xf32>
      %broadcast_in_dim3A_953 = vector.shape_cast %reduce_sum3A_952 : vector<128xf32> to vector<1x128xf32>
      %slice3A_954 = vector.extract_strided_slice %convert_element_type3A_34 {offsets = [3648, 0], sizes = [40, 128], strides = [1, 1]} : vector<4160x128xbf16> to vector<40x128xbf16>
      %slice3A_955 = vector.extract_strided_slice %transpose3A {offsets = [0, 14592], sizes = [128, 128], strides = [1, 1]} : vector<128x16384xbf16> to vector<128x128xbf16>
      %dot_general3A_956 = arith.constant dense<0.000000e+00> : vector<40x128xf32>
      %dot_general3A_957 = tpu.matmul %slice3A_954, %slice3A_955, %dot_general3A_956 {dimension_numbers = #tpu.dot_dimension_numbers<[1], [0], [0], [1], [0, 0, 1, 1], [], []>, transpose_lhs_hint = false} : vector<40x128xbf16>, vector<128x128xbf16>, vector<40x128xf32> -> vector<40x128xf32>
      %mul3A_958 = arith.mulf %dot_general3A_957, %get3A_44 : vector<40x128xf32>
      %reduce_sum3A_959 = arith.constant dense<0.000000e+00> : vector<128xf32>
      %reduce_sum3A_960 = vector.multi_reduction <add>, %mul3A_958, %reduce_sum3A_959 [0] : vector<40x128xf32> to vector<128xf32>
      %broadcast_in_dim3A_961 = vector.shape_cast %reduce_sum3A_960 : vector<128xf32> to vector<1x128xf32>
      %slice3A_962 = vector.extract_strided_slice %convert_element_type3A_34 {offsets = [3680, 0], sizes = [40, 128], strides = [1, 1]} : vector<4160x128xbf16> to vector<40x128xbf16>
      %slice3A_963 = vector.extract_strided_slice %transpose3A {offsets = [0, 14720], sizes = [128, 128], strides = [1, 1]} : vector<128x16384xbf16> to vector<128x128xbf16>
      %dot_general3A_964 = arith.constant dense<0.000000e+00> : vector<40x128xf32>
      %dot_general3A_965 = tpu.matmul %slice3A_962, %slice3A_963, %dot_general3A_964 {dimension_numbers = #tpu.dot_dimension_numbers<[1], [0], [0], [1], [0, 0, 1, 1], [], []>, transpose_lhs_hint = false} : vector<40x128xbf16>, vector<128x128xbf16>, vector<40x128xf32> -> vector<40x128xf32>
      %mul3A_966 = arith.mulf %dot_general3A_965, %get3A_44 : vector<40x128xf32>
      %reduce_sum3A_967 = arith.constant dense<0.000000e+00> : vector<128xf32>
      %reduce_sum3A_968 = vector.multi_reduction <add>, %mul3A_966, %reduce_sum3A_967 [0] : vector<40x128xf32> to vector<128xf32>
      %broadcast_in_dim3A_969 = vector.shape_cast %reduce_sum3A_968 : vector<128xf32> to vector<1x128xf32>
      %slice3A_970 = vector.extract_strided_slice %convert_element_type3A_34 {offsets = [3712, 0], sizes = [40, 128], strides = [1, 1]} : vector<4160x128xbf16> to vector<40x128xbf16>
      %slice3A_971 = vector.extract_strided_slice %transpose3A {offsets = [0, 14848], sizes = [128, 128], strides = [1, 1]} : vector<128x16384xbf16> to vector<128x128xbf16>
      %dot_general3A_972 = arith.constant dense<0.000000e+00> : vector<40x128xf32>
      %dot_general3A_973 = tpu.matmul %slice3A_970, %slice3A_971, %dot_general3A_972 {dimension_numbers = #tpu.dot_dimension_numbers<[1], [0], [0], [1], [0, 0, 1, 1], [], []>, transpose_lhs_hint = false} : vector<40x128xbf16>, vector<128x128xbf16>, vector<40x128xf32> -> vector<40x128xf32>
      %mul3A_974 = arith.mulf %dot_general3A_973, %get3A_44 : vector<40x128xf32>
      %reduce_sum3A_975 = arith.constant dense<0.000000e+00> : vector<128xf32>
      %reduce_sum3A_976 = vector.multi_reduction <add>, %mul3A_974, %reduce_sum3A_975 [0] : vector<40x128xf32> to vector<128xf32>
      %broadcast_in_dim3A_977 = vector.shape_cast %reduce_sum3A_976 : vector<128xf32> to vector<1x128xf32>
      %slice3A_978 = vector.extract_strided_slice %convert_element_type3A_34 {offsets = [3744, 0], sizes = [40, 128], strides = [1, 1]} : vector<4160x128xbf16> to vector<40x128xbf16>
      %slice3A_979 = vector.extract_strided_slice %transpose3A {offsets = [0, 14976], sizes = [128, 128], strides = [1, 1]} : vector<128x16384xbf16> to vector<128x128xbf16>
      %dot_general3A_980 = arith.constant dense<0.000000e+00> : vector<40x128xf32>
      %dot_general3A_981 = tpu.matmul %slice3A_978, %slice3A_979, %dot_general3A_980 {dimension_numbers = #tpu.dot_dimension_numbers<[1], [0], [0], [1], [0, 0, 1, 1], [], []>, transpose_lhs_hint = false} : vector<40x128xbf16>, vector<128x128xbf16>, vector<40x128xf32> -> vector<40x128xf32>
      %mul3A_982 = arith.mulf %dot_general3A_981, %get3A_44 : vector<40x128xf32>
      %reduce_sum3A_983 = arith.constant dense<0.000000e+00> : vector<128xf32>
      %reduce_sum3A_984 = vector.multi_reduction <add>, %mul3A_982, %reduce_sum3A_983 [0] : vector<40x128xf32> to vector<128xf32>
      %broadcast_in_dim3A_985 = vector.shape_cast %reduce_sum3A_984 : vector<128xf32> to vector<1x128xf32>
      %slice3A_986 = vector.extract_strided_slice %convert_element_type3A_34 {offsets = [3776, 0], sizes = [40, 128], strides = [1, 1]} : vector<4160x128xbf16> to vector<40x128xbf16>
      %slice3A_987 = vector.extract_strided_slice %transpose3A {offsets = [0, 15104], sizes = [128, 128], strides = [1, 1]} : vector<128x16384xbf16> to vector<128x128xbf16>
      %dot_general3A_988 = arith.constant dense<0.000000e+00> : vector<40x128xf32>
      %dot_general3A_989 = tpu.matmul %slice3A_986, %slice3A_987, %dot_general3A_988 {dimension_numbers = #tpu.dot_dimension_numbers<[1], [0], [0], [1], [0, 0, 1, 1], [], []>, transpose_lhs_hint = false} : vector<40x128xbf16>, vector<128x128xbf16>, vector<40x128xf32> -> vector<40x128xf32>
      %mul3A_990 = arith.mulf %dot_general3A_989, %get3A_44 : vector<40x128xf32>
      %reduce_sum3A_991 = arith.constant dense<0.000000e+00> : vector<128xf32>
      %reduce_sum3A_992 = vector.multi_reduction <add>, %mul3A_990, %reduce_sum3A_991 [0] : vector<40x128xf32> to vector<128xf32>
      %broadcast_in_dim3A_993 = vector.shape_cast %reduce_sum3A_992 : vector<128xf32> to vector<1x128xf32>
      %slice3A_994 = vector.extract_strided_slice %convert_element_type3A_34 {offsets = [3808, 0], sizes = [40, 128], strides = [1, 1]} : vector<4160x128xbf16> to vector<40x128xbf16>
      %slice3A_995 = vector.extract_strided_slice %transpose3A {offsets = [0, 15232], sizes = [128, 128], strides = [1, 1]} : vector<128x16384xbf16> to vector<128x128xbf16>
      %dot_general3A_996 = arith.constant dense<0.000000e+00> : vector<40x128xf32>
      %dot_general3A_997 = tpu.matmul %slice3A_994, %slice3A_995, %dot_general3A_996 {dimension_numbers = #tpu.dot_dimension_numbers<[1], [0], [0], [1], [0, 0, 1, 1], [], []>, transpose_lhs_hint = false} : vector<40x128xbf16>, vector<128x128xbf16>, vector<40x128xf32> -> vector<40x128xf32>
      %mul3A_998 = arith.mulf %dot_general3A_997, %get3A_44 : vector<40x128xf32>
      %reduce_sum3A_999 = arith.constant dense<0.000000e+00> : vector<128xf32>
      %reduce_sum3A_1000 = vector.multi_reduction <add>, %mul3A_998, %reduce_sum3A_999 [0] : vector<40x128xf32> to vector<128xf32>
      %broadcast_in_dim3A_1001 = vector.shape_cast %reduce_sum3A_1000 : vector<128xf32> to vector<1x128xf32>
      %slice3A_1002 = vector.extract_strided_slice %convert_element_type3A_34 {offsets = [3840, 0], sizes = [40, 128], strides = [1, 1]} : vector<4160x128xbf16> to vector<40x128xbf16>
      %slice3A_1003 = vector.extract_strided_slice %transpose3A {offsets = [0, 15360], sizes = [128, 128], strides = [1, 1]} : vector<128x16384xbf16> to vector<128x128xbf16>
      %dot_general3A_1004 = arith.constant dense<0.000000e+00> : vector<40x128xf32>
      %dot_general3A_1005 = tpu.matmul %slice3A_1002, %slice3A_1003, %dot_general3A_1004 {dimension_numbers = #tpu.dot_dimension_numbers<[1], [0], [0], [1], [0, 0, 1, 1], [], []>, transpose_lhs_hint = false} : vector<40x128xbf16>, vector<128x128xbf16>, vector<40x128xf32> -> vector<40x128xf32>
      %mul3A_1006 = arith.mulf %dot_general3A_1005, %get3A_44 : vector<40x128xf32>
      %reduce_sum3A_1007 = arith.constant dense<0.000000e+00> : vector<128xf32>
      %reduce_sum3A_1008 = vector.multi_reduction <add>, %mul3A_1006, %reduce_sum3A_1007 [0] : vector<40x128xf32> to vector<128xf32>
      %broadcast_in_dim3A_1009 = vector.shape_cast %reduce_sum3A_1008 : vector<128xf32> to vector<1x128xf32>
      %slice3A_1010 = vector.extract_strided_slice %convert_element_type3A_34 {offsets = [3872, 0], sizes = [40, 128], strides = [1, 1]} : vector<4160x128xbf16> to vector<40x128xbf16>
      %slice3A_1011 = vector.extract_strided_slice %transpose3A {offsets = [0, 15488], sizes = [128, 128], strides = [1, 1]} : vector<128x16384xbf16> to vector<128x128xbf16>
      %dot_general3A_1012 = arith.constant dense<0.000000e+00> : vector<40x128xf32>
      %dot_general3A_1013 = tpu.matmul %slice3A_1010, %slice3A_1011, %dot_general3A_1012 {dimension_numbers = #tpu.dot_dimension_numbers<[1], [0], [0], [1], [0, 0, 1, 1], [], []>, transpose_lhs_hint = false} : vector<40x128xbf16>, vector<128x128xbf16>, vector<40x128xf32> -> vector<40x128xf32>
      %mul3A_1014 = arith.mulf %dot_general3A_1013, %get3A_44 : vector<40x128xf32>
      %reduce_sum3A_1015 = arith.constant dense<0.000000e+00> : vector<128xf32>
      %reduce_sum3A_1016 = vector.multi_reduction <add>, %mul3A_1014, %reduce_sum3A_1015 [0] : vector<40x128xf32> to vector<128xf32>
      %broadcast_in_dim3A_1017 = vector.shape_cast %reduce_sum3A_1016 : vector<128xf32> to vector<1x128xf32>
      %slice3A_1018 = vector.extract_strided_slice %convert_element_type3A_34 {offsets = [3904, 0], sizes = [40, 128], strides = [1, 1]} : vector<4160x128xbf16> to vector<40x128xbf16>
      %slice3A_1019 = vector.extract_strided_slice %transpose3A {offsets = [0, 15616], sizes = [128, 128], strides = [1, 1]} : vector<128x16384xbf16> to vector<128x128xbf16>
      %dot_general3A_1020 = arith.constant dense<0.000000e+00> : vector<40x128xf32>
      %dot_general3A_1021 = tpu.matmul %slice3A_1018, %slice3A_1019, %dot_general3A_1020 {dimension_numbers = #tpu.dot_dimension_numbers<[1], [0], [0], [1], [0, 0, 1, 1], [], []>, transpose_lhs_hint = false} : vector<40x128xbf16>, vector<128x128xbf16>, vector<40x128xf32> -> vector<40x128xf32>
      %mul3A_1022 = arith.mulf %dot_general3A_1021, %get3A_44 : vector<40x128xf32>
      %reduce_sum3A_1023 = arith.constant dense<0.000000e+00> : vector<128xf32>
      %reduce_sum3A_1024 = vector.multi_reduction <add>, %mul3A_1022, %reduce_sum3A_1023 [0] : vector<40x128xf32> to vector<128xf32>
      %broadcast_in_dim3A_1025 = vector.shape_cast %reduce_sum3A_1024 : vector<128xf32> to vector<1x128xf32>
      %slice3A_1026 = vector.extract_strided_slice %convert_element_type3A_34 {offsets = [3936, 0], sizes = [40, 128], strides = [1, 1]} : vector<4160x128xbf16> to vector<40x128xbf16>
      %slice3A_1027 = vector.extract_strided_slice %transpose3A {offsets = [0, 15744], sizes = [128, 128], strides = [1, 1]} : vector<128x16384xbf16> to vector<128x128xbf16>
      %dot_general3A_1028 = arith.constant dense<0.000000e+00> : vector<40x128xf32>
      %dot_general3A_1029 = tpu.matmul %slice3A_1026, %slice3A_1027, %dot_general3A_1028 {dimension_numbers = #tpu.dot_dimension_numbers<[1], [0], [0], [1], [0, 0, 1, 1], [], []>, transpose_lhs_hint = false} : vector<40x128xbf16>, vector<128x128xbf16>, vector<40x128xf32> -> vector<40x128xf32>
      %mul3A_1030 = arith.mulf %dot_general3A_1029, %get3A_44 : vector<40x128xf32>
      %reduce_sum3A_1031 = arith.constant dense<0.000000e+00> : vector<128xf32>
      %reduce_sum3A_1032 = vector.multi_reduction <add>, %mul3A_1030, %reduce_sum3A_1031 [0] : vector<40x128xf32> to vector<128xf32>
      %broadcast_in_dim3A_1033 = vector.shape_cast %reduce_sum3A_1032 : vector<128xf32> to vector<1x128xf32>
      %slice3A_1034 = vector.extract_strided_slice %convert_element_type3A_34 {offsets = [3968, 0], sizes = [40, 128], strides = [1, 1]} : vector<4160x128xbf16> to vector<40x128xbf16>
      %slice3A_1035 = vector.extract_strided_slice %transpose3A {offsets = [0, 15872], sizes = [128, 128], strides = [1, 1]} : vector<128x16384xbf16> to vector<128x128xbf16>
      %dot_general3A_1036 = arith.constant dense<0.000000e+00> : vector<40x128xf32>
      %dot_general3A_1037 = tpu.matmul %slice3A_1034, %slice3A_1035, %dot_general3A_1036 {dimension_numbers = #tpu.dot_dimension_numbers<[1], [0], [0], [1], [0, 0, 1, 1], [], []>, transpose_lhs_hint = false} : vector<40x128xbf16>, vector<128x128xbf16>, vector<40x128xf32> -> vector<40x128xf32>
      %mul3A_1038 = arith.mulf %dot_general3A_1037, %get3A_44 : vector<40x128xf32>
      %reduce_sum3A_1039 = arith.constant dense<0.000000e+00> : vector<128xf32>
      %reduce_sum3A_1040 = vector.multi_reduction <add>, %mul3A_1038, %reduce_sum3A_1039 [0] : vector<40x128xf32> to vector<128xf32>
      %broadcast_in_dim3A_1041 = vector.shape_cast %reduce_sum3A_1040 : vector<128xf32> to vector<1x128xf32>
      %slice3A_1042 = vector.extract_strided_slice %convert_element_type3A_34 {offsets = [4000, 0], sizes = [40, 128], strides = [1, 1]} : vector<4160x128xbf16> to vector<40x128xbf16>
      %slice3A_1043 = vector.extract_strided_slice %transpose3A {offsets = [0, 16000], sizes = [128, 128], strides = [1, 1]} : vector<128x16384xbf16> to vector<128x128xbf16>
      %dot_general3A_1044 = arith.constant dense<0.000000e+00> : vector<40x128xf32>
      %dot_general3A_1045 = tpu.matmul %slice3A_1042, %slice3A_1043, %dot_general3A_1044 {dimension_numbers = #tpu.dot_dimension_numbers<[1], [0], [0], [1], [0, 0, 1, 1], [], []>, transpose_lhs_hint = false} : vector<40x128xbf16>, vector<128x128xbf16>, vector<40x128xf32> -> vector<40x128xf32>
      %mul3A_1046 = arith.mulf %dot_general3A_1045, %get3A_44 : vector<40x128xf32>
      %reduce_sum3A_1047 = arith.constant dense<0.000000e+00> : vector<128xf32>
      %reduce_sum3A_1048 = vector.multi_reduction <add>, %mul3A_1046, %reduce_sum3A_1047 [0] : vector<40x128xf32> to vector<128xf32>
      %broadcast_in_dim3A_1049 = vector.shape_cast %reduce_sum3A_1048 : vector<128xf32> to vector<1x128xf32>
      %slice3A_1050 = vector.extract_strided_slice %convert_element_type3A_34 {offsets = [4032, 0], sizes = [40, 128], strides = [1, 1]} : vector<4160x128xbf16> to vector<40x128xbf16>
      %slice3A_1051 = vector.extract_strided_slice %transpose3A {offsets = [0, 16128], sizes = [128, 128], strides = [1, 1]} : vector<128x16384xbf16> to vector<128x128xbf16>
      %dot_general3A_1052 = arith.constant dense<0.000000e+00> : vector<40x128xf32>
      %dot_general3A_1053 = tpu.matmul %slice3A_1050, %slice3A_1051, %dot_general3A_1052 {dimension_numbers = #tpu.dot_dimension_numbers<[1], [0], [0], [1], [0, 0, 1, 1], [], []>, transpose_lhs_hint = false} : vector<40x128xbf16>, vector<128x128xbf16>, vector<40x128xf32> -> vector<40x128xf32>
      %mul3A_1054 = arith.mulf %dot_general3A_1053, %get3A_44 : vector<40x128xf32>
      %reduce_sum3A_1055 = arith.constant dense<0.000000e+00> : vector<128xf32>
      %reduce_sum3A_1056 = vector.multi_reduction <add>, %mul3A_1054, %reduce_sum3A_1055 [0] : vector<40x128xf32> to vector<128xf32>
      %broadcast_in_dim3A_1057 = vector.shape_cast %reduce_sum3A_1056 : vector<128xf32> to vector<1x128xf32>
      %slice3A_1058 = vector.extract_strided_slice %convert_element_type3A_34 {offsets = [4064, 0], sizes = [40, 128], strides = [1, 1]} : vector<4160x128xbf16> to vector<40x128xbf16>
      %slice3A_1059 = vector.extract_strided_slice %transpose3A {offsets = [0, 16256], sizes = [128, 128], strides = [1, 1]} : vector<128x16384xbf16> to vector<128x128xbf16>
      %dot_general3A_1060 = arith.constant dense<0.000000e+00> : vector<40x128xf32>
      %dot_general3A_1061 = tpu.matmul %slice3A_1058, %slice3A_1059, %dot_general3A_1060 {dimension_numbers = #tpu.dot_dimension_numbers<[1], [0], [0], [1], [0, 0, 1, 1], [], []>, transpose_lhs_hint = false} : vector<40x128xbf16>, vector<128x128xbf16>, vector<40x128xf32> -> vector<40x128xf32>
      %mul3A_1062 = arith.mulf %dot_general3A_1061, %get3A_44 : vector<40x128xf32>
      %reduce_sum3A_1063 = arith.constant dense<0.000000e+00> : vector<128xf32>
      %reduce_sum3A_1064 = vector.multi_reduction <add>, %mul3A_1062, %reduce_sum3A_1063 [0] : vector<40x128xf32> to vector<128xf32>
      %broadcast_in_dim3A_1065 = vector.shape_cast %reduce_sum3A_1064 : vector<128xf32> to vector<1x128xf32>
      %concatenate3A_1066 = tpu.concatenate %broadcast_in_dim3A, %broadcast_in_dim3A_57, %broadcast_in_dim3A_65, %broadcast_in_dim3A_73, %broadcast_in_dim3A_81, %broadcast_in_dim3A_89, %broadcast_in_dim3A_97, %broadcast_in_dim3A_105, %broadcast_in_dim3A_113, %broadcast_in_dim3A_121, %broadcast_in_dim3A_129, %broadcast_in_dim3A_137, %broadcast_in_dim3A_145, %broadcast_in_dim3A_153, %broadcast_in_dim3A_161, %broadcast_in_dim3A_169, %broadcast_in_dim3A_177, %broadcast_in_dim3A_185, %broadcast_in_dim3A_193, %broadcast_in_dim3A_201, %broadcast_in_dim3A_209, %broadcast_in_dim3A_217, %broadcast_in_dim3A_225, %broadcast_in_dim3A_233, %broadcast_in_dim3A_241, %broadcast_in_dim3A_249, %broadcast_in_dim3A_257, %broadcast_in_dim3A_265, %broadcast_in_dim3A_273, %broadcast_in_dim3A_281, %broadcast_in_dim3A_289, %broadcast_in_dim3A_297, %broadcast_in_dim3A_305, %broadcast_in_dim3A_313, %broadcast_in_dim3A_321, %broadcast_in_dim3A_329, %broadcast_in_dim3A_337, %broadcast_in_dim3A_345, %broadcast_in_dim3A_353, %broadcast_in_dim3A_361, %broadcast_in_dim3A_369, %broadcast_in_dim3A_377, %broadcast_in_dim3A_385, %broadcast_in_dim3A_393, %broadcast_in_dim3A_401, %broadcast_in_dim3A_409, %broadcast_in_dim3A_417, %broadcast_in_dim3A_425, %broadcast_in_dim3A_433, %broadcast_in_dim3A_441, %broadcast_in_dim3A_449, %broadcast_in_dim3A_457, %broadcast_in_dim3A_465, %broadcast_in_dim3A_473, %broadcast_in_dim3A_481, %broadcast_in_dim3A_489, %broadcast_in_dim3A_497, %broadcast_in_dim3A_505, %broadcast_in_dim3A_513, %broadcast_in_dim3A_521, %broadcast_in_dim3A_529, %broadcast_in_dim3A_537, %broadcast_in_dim3A_545, %broadcast_in_dim3A_553, %broadcast_in_dim3A_561, %broadcast_in_dim3A_569, %broadcast_in_dim3A_577, %broadcast_in_dim3A_585, %broadcast_in_dim3A_593, %broadcast_in_dim3A_601, %broadcast_in_dim3A_609, %broadcast_in_dim3A_617, %broadcast_in_dim3A_625, %broadcast_in_dim3A_633, %broadcast_in_dim3A_641, %broadcast_in_dim3A_649, %broadcast_in_dim3A_657, %broadcast_in_dim3A_665, %broadcast_in_dim3A_673, %broadcast_in_dim3A_681, %broadcast_in_dim3A_689, %broadcast_in_dim3A_697, %broadcast_in_dim3A_705, %broadcast_in_dim3A_713, %broadcast_in_dim3A_721, %broadcast_in_dim3A_729, %broadcast_in_dim3A_737, %broadcast_in_dim3A_745, %broadcast_in_dim3A_753, %broadcast_in_dim3A_761, %broadcast_in_dim3A_769, %broadcast_in_dim3A_777, %broadcast_in_dim3A_785, %broadcast_in_dim3A_793, %broadcast_in_dim3A_801, %broadcast_in_dim3A_809, %broadcast_in_dim3A_817, %broadcast_in_dim3A_825, %broadcast_in_dim3A_833, %broadcast_in_dim3A_841, %broadcast_in_dim3A_849, %broadcast_in_dim3A_857, %broadcast_in_dim3A_865, %broadcast_in_dim3A_873, %broadcast_in_dim3A_881, %broadcast_in_dim3A_889, %broadcast_in_dim3A_897, %broadcast_in_dim3A_905, %broadcast_in_dim3A_913, %broadcast_in_dim3A_921, %broadcast_in_dim3A_929, %broadcast_in_dim3A_937, %broadcast_in_dim3A_945, %broadcast_in_dim3A_953, %broadcast_in_dim3A_961, %broadcast_in_dim3A_969, %broadcast_in_dim3A_977, %broadcast_in_dim3A_985, %broadcast_in_dim3A_993, %broadcast_in_dim3A_1001, %broadcast_in_dim3A_1009, %broadcast_in_dim3A_1017, %broadcast_in_dim3A_1025, %broadcast_in_dim3A_1033, %broadcast_in_dim3A_1041, %broadcast_in_dim3A_1049, %broadcast_in_dim3A_1057, %broadcast_in_dim3A_1065 in 1 : vector<1x128xf32>, vector<1x128xf32>, vector<1x128xf32>, vector<1x128xf32>, vector<1x128xf32>, vector<1x128xf32>, vector<1x128xf32>, vector<1x128xf32>, vector<1x128xf32>, vector<1x128xf32>, vector<1x128xf32>, vector<1x128xf32>, vector<1x128xf32>, vector<1x128xf32>, vector<1x128xf32>, vector<1x128xf32>, vector<1x128xf32>, vector<1x128xf32>, vector<1x128xf32>, vector<1x128xf32>, vector<1x128xf32>, vector<1x128xf32>, vector<1x128xf32>, vector<1x128xf32>, vector<1x128xf32>, vector<1x128xf32>, vector<1x128xf32>, vector<1x128xf32>, vector<1x128xf32>, vector<1x128xf32>, vector<1x128xf32>, vector<1x128xf32>, vector<1x128xf32>, vector<1x128xf32>, vector<1x128xf32>, vector<1x128xf32>, vector<1x128xf32>, vector<1x128xf32>, vector<1x128xf32>, vector<1x128xf32>, vector<1x128xf32>, vector<1x128xf32>, vector<1x128xf32>, vector<1x128xf32>, vector<1x128xf32>, vector<1x128xf32>, vector<1x128xf32>, vector<1x128xf32>, vector<1x128xf32>, vector<1x128xf32>, vector<1x128xf32>, vector<1x128xf32>, vector<1x128xf32>, vector<1x128xf32>, vector<1x128xf32>, vector<1x128xf32>, vector<1x128xf32>, vector<1x128xf32>, vector<1x128xf32>, vector<1x128xf32>, vector<1x128xf32>, vector<1x128xf32>, vector<1x128xf32>, vector<1x128xf32>, vector<1x128xf32>, vector<1x128xf32>, vector<1x128xf32>, vector<1x128xf32>, vector<1x128xf32>, vector<1x128xf32>, vector<1x128xf32>, vector<1x128xf32>, vector<1x128xf32>, vector<1x128xf32>, vector<1x128xf32>, vector<1x128xf32>, vector<1x128xf32>, vector<1x128xf32>, vector<1x128xf32>, vector<1x128xf32>, vector<1x128xf32>, vector<1x128xf32>, vector<1x128xf32>, vector<1x128xf32>, vector<1x128xf32>, vector<1x128xf32>, vector<1x128xf32>, vector<1x128xf32>, vector<1x128xf32>, vector<1x128xf32>, vector<1x128xf32>, vector<1x128xf32>, vector<1x128xf32>, vector<1x128xf32>, vector<1x128xf32>, vector<1x128xf32>, vector<1x128xf32>, vector<1x128xf32>, vector<1x128xf32>, vector<1x128xf32>, vector<1x128xf32>, vector<1x128xf32>, vector<1x128xf32>, vector<1x128xf32>, vector<1x128xf32>, vector<1x128xf32>, vector<1x128xf32>, vector<1x128xf32>, vector<1x128xf32>, vector<1x128xf32>, vector<1x128xf32>, vector<1x128xf32>, vector<1x128xf32>, vector<1x128xf32>, vector<1x128xf32>, vector<1x128xf32>, vector<1x128xf32>, vector<1x128xf32>, vector<1x128xf32>, vector<1x128xf32>, vector<1x128xf32>, vector<1x128xf32>, vector<1x128xf32>, vector<1x128xf32>, vector<1x128xf32>, vector<1x128xf32>, vector<1x128xf32>, vector<1x128xf32> -> vector<1x16384xf32>
      %concatenate3A_1067 = tpu.concatenate %concatenate3A_1066, %dot_general3A_41 in 0 : vector<1x16384xf32>, vector<16x16384xf32> -> vector<17x16384xf32>
      %reduce_max3A = arith.constant dense<0xFF800000> : vector<16384xf32>
      %reduce_max3A_1068 = vector.multi_reduction <maximumf>, %concatenate3A_1067, %reduce_max3A [0] : vector<17x16384xf32> to vector<16384xf32>
      %broadcast_in_dim3A_1069 = vector.shape_cast %reduce_max3A_1068 : vector<16384xf32> to vector<1x16384xf32>
      %sub3A = vector.broadcast %broadcast_in_dim3A_1069 : vector<1x16384xf32> to vector<17x16384xf32>
      %sub3A_1070 = arith.subf %concatenate3A_1067, %sub3A : vector<17x16384xf32>
      %exp3A = math.exp %sub3A_1070 : vector<17x16384xf32>
      %reduce_sum3A_1071 = arith.constant dense<0.000000e+00> : vector<16384xf32>
      %reduce_sum3A_1072 = vector.multi_reduction <add>, %exp3A, %reduce_sum3A_1071 [0] : vector<17x16384xf32> to vector<16384xf32>
      %broadcast_in_dim3A_1073 = vector.shape_cast %reduce_sum3A_1072 : vector<16384xf32> to vector<1x16384xf32>
      %log3A = math.log %broadcast_in_dim3A_1073 : vector<1x16384xf32>
      %add3A_1074 = arith.addf %broadcast_in_dim3A_1069, %log3A : vector<1x16384xf32>
      %sub3A_1075 = arith.subf %add3A_1074, %concatenate3A_1066 : vector<1x16384xf32>
      %get3A_1076 = arith.constant 0 : index
      %get3A_1077 = arith.constant 0 : index
      %get3A_1078 = vector.load %arg8[%get3A_1076, %get3A_1077] : memref<1x16384xi32, #tpu.memory_space<vmem>>, vector<1x16384xi32>
      %add3A_1079 = vector.broadcast %mul3A_4 : i32 to vector<1x16384xi32>
      %add3A_1080 = arith.addi %get3A_1078, %add3A_1079 : vector<1x16384xi32>
      %lt3A_1081 = vector.broadcast %get3A_5 : i32 to vector<1x16384xi32>
      %lt3A_1082 = arith.cmpi slt, %add3A_1080, %lt3A_1081 : vector<1x16384xi32>
      %convert_element_type3A_1083 = arith.extui %lt3A_1082 : vector<1x16384xi1> to vector<1x16384xi32>
      %convert_element_type3A_1084 = arith.sitofp %convert_element_type3A_1083 : vector<1x16384xi32> to vector<1x16384xf32>
      %mul3A_1085 = arith.mulf %sub3A_1075, %convert_element_type3A_1084 : vector<1x16384xf32>
      %get3A_1086 = arith.constant 0 : index
      %get3A_1087 = arith.constant 0 : index
      %get3A_1088 = vector.load %arg10[%get3A_1086, %get3A_1087] : memref<2x16384xf32, #tpu.memory_space<vmem>>, vector<2x16384xf32>
      %concatenate3A_1089 = tpu.concatenate %mul3A_1085, %convert_element_type3A_1084 in 0 : vector<1x16384xf32>, vector<1x16384xf32> -> vector<2x16384xf32>
      %add3A_1090 = arith.addf %get3A_1088, %concatenate3A_1089 : vector<2x16384xf32>
      %swap3A = arith.constant 0 : index
      %swap3A_1091 = arith.constant 0 : index
      %swap3A_1092 = vector.load %arg10[%swap3A, %swap3A_1091] : memref<2x16384xf32, #tpu.memory_space<vmem>>, vector<2x16384xf32>
      tpu.vector_store %arg10[%swap3A, %swap3A_1091], %add3A_1090 {strides = array<i32>} : memref<2x16384xf32, #tpu.memory_space<vmem>>, vector<2x16384xf32>,
    } else {
    }
    %eq3A_10 = arith.constant 15 : i32
    %eq3A_11 = arith.cmpi eq, %arg0, %eq3A_10 : i32
    %eq3A_12 = arith.constant 0 : i32
    %eq3A_13 = arith.cmpi eq, %arg1, %eq3A_12 : i32
    %and3A_14 = arith.andi %eq3A_11, %eq3A_13 : i1
    %convert_element_type3A_15 = arith.extui %and3A_14 : i1 to i32
    %cond3A_16 = arith.constant 0 : i32
    %cond3A_17 = arith.cmpi ne, %convert_element_type3A_15, %cond3A_16 : i32
    scf.if %cond3A_17 {
      %get3A_18 = arith.constant 0 : index
      %get3A_19 = arith.constant 0 : index
      %get3A_20 = vector.load %arg10[%get3A_18, %get3A_19] : memref<2x16384xf32, #tpu.memory_space<vmem>>, vector<2x16384xf32>
      %get3A_21 = arith.constant 0 : index
      %get3A_22 = arith.constant 0 : index
      %get3A_23 = vector.load %arg9[%get3A_21, %get3A_22] : memref<16384x128xf32, #tpu.memory_space<vmem>>, vector<16384x128xf32>
      %dot_general3A = arith.constant dense<0.000000e+00> : vector<2x128xf32>
      %dot_general3A_24 = tpu.matmul %get3A_20, %get3A_23, %dot_general3A {dimension_numbers = #tpu.dot_dimension_numbers<[1], [0], [0], [1], [0, 0, 1, 1], [], []>, transpose_lhs_hint = false} : vector<2x16384xf32>, vector<16384x128xf32>, vector<2x128xf32> -> vector<2x128xf32>
      %swap3A = arith.constant 0 : index
      %swap3A_25 = arith.constant 0 : index
      %swap3A_26 = vector.load %arg11[%swap3A, %swap3A_25] : memref<2x128xf32, #tpu.memory_space<vmem>>, vector<2x128xf32>
      tpu.vector_store %arg11[%swap3A, %swap3A_25], %dot_general3A_24 {strides = array<i32>} : memref<2x128xf32, #tpu.memory_space<vmem>>, vector<2x128xf32>,
    } else {
    }
    return
  }
  func.func @transform_0(%arg0: i32, %arg1: i32, %arg2: memref<16xi32, #tpu.memory_space<smem>>) -> (i32, i32, i32) {
    %c0_i32 = arith.constant 0 : i32
    %c0_i32_0 = arith.constant 0 : i32
    return %arg0, %arg1, %c0_i32 : i32, i32, i32
  }
  func.func @transform_1(%arg0: i32, %arg1: i32, %arg2: memref<16xi32, #tpu.memory_space<smem>>) -> (i32, i32, i32) {
    %c0_i32 = arith.constant 0 : i32
    %c0_i32_0 = arith.constant 0 : i32
    return %arg0, %arg1, %c0_i32 : i32, i32, i32
  }
  func.func @transform_2(%arg0: i32, %arg1: i32, %arg2: memref<16xi32, #tpu.memory_space<smem>>) -> (i32, i32, i32) {
    %mul3A = arith.constant 64 : i32
    %mul3A_0 = arith.muli %arg0, %mul3A : i32
    %add3A = arith.constant 1 : i32
    %add3A_1 = arith.addi %arg1, %add3A : i32
    %mul3A_2 = arith.constant 64 : i32
    %mul3A_3 = arith.muli %add3A_1, %mul3A_2 : i32
    %add3A_4 = arith.addi %mul3A_0, %mul3A_3 : i32
    %min3A = arith.constant 1023 : i32
    %min3A_5 = arith.minsi %add3A_4, %min3A : i32
    %c0_i32 = arith.constant 0 : i32
    %c0_i32_6 = arith.constant 0 : i32
    %c0_i32_7 = arith.constant 0 : i32
    return %min3A_5, %c0_i32, %c0_i32_6 : i32, i32, i32
  }
  func.func @transform_3(%arg0: i32, %arg1: i32, %arg2: memref<16xi32, #tpu.memory_space<smem>>) -> (i32, i32, i32) {
    %c0_i32 = arith.constant 0 : i32
    %c0_i32_0 = arith.constant 0 : i32
    %c0_i32_1 = arith.constant 0 : i32
    return %arg0, %c0_i32, %c0_i32_0 : i32, i32, i32
  }
  func.func @transform_4(%arg0: i32, %arg1: i32, %arg2: memref<16xi32, #tpu.memory_space<smem>>) -> (i32, i32) {
    %c0_i32 = arith.constant 0 : i32
    %c0_i32_0 = arith.constant 0 : i32
    %c0_i32_1 = arith.constant 0 : i32
    return %c0_i32, %c0_i32_0 : i32, i32
  }
  func.func @transform_5(%arg0: i32, %arg1: i32, %arg2: memref<16xi32, #tpu.memory_space<smem>>) -> (i32, i32) {
    %c0_i32 = arith.constant 0 : i32
    %c0_i32_0 = arith.constant 0 : i32
    %c0_i32_1 = arith.constant 0 : i32
    return %c0_i32, %c0_i32_0 : i32, i32
  }
  func.func @transform_6(%arg0: i32, %arg1: i32, %arg2: memref<16xi32, #tpu.memory_space<smem>>) -> (i32, i32) {
    %c0_i32 = arith.constant 0 : i32
    %c0_i32_0 = arith.constant 0 : i32
    %c0_i32_1 = arith.constant 0 : i32
    return %c0_i32, %c0_i32_0 : i32, i32
  }
  func.func @transform_7(%arg0: i32, %arg1: i32, %arg2: memref<16xi32, #tpu.memory_space<smem>>) -> (i32, i32) {
    %c0_i32 = arith.constant 0 : i32
    %c0_i32_0 = arith.constant 0 : i32
    %c0_i32_1 = arith.constant 0 : i32
    return %c0_i32, %c0_i32_0 : i32, i32
  }
  func.func @transform_8(%arg0: i32, %arg1: i32, %arg2: memref<16xi32, #tpu.memory_space<smem>>) -> (i32, i32) {
    %c0_i32 = arith.constant 0 : i32
    %c0_i32_0 = arith.constant 0 : i32
    %c0_i32_1 = arith.constant 0 : i32
    return %c0_i32, %c0_i32_0 : i32, i32
  }
}

</mosaic_0001>

<sc_bundles>
// kernel: kernel.4.cloned.1.call-start
scs
__scs_entry_jumppad:
0x0: {  	(pc) =	sbr.rel $0x88, $3  }
0x1: {  	(tag) =	ssettag $0x0;
	lr =	simm.s32 $0x1  }
0x2: {  	[smem:$0x3F9E] =	sst lr;
	_ =	strace $0xD0000000  }
0x3: {  	_ = 	snop  }
0x4: {  	_ = 	snop  }
0x5: {  	_ = 	snop  }
0x6: {  	_ = 	snop  }
0x7: {  	_ = 	snop  }
__scs_overlays_trampoline_lowered:
0x8: {  	[smem:$0x3FAD] =	sst s0  }
0x9: {  	[smem:$0x3FAE] =	sst s1  }
0xa: {  	[smem:$0x3FAF] =	sst s2  }
0xb: {  	[smem:$0x3FB0] =	sst s3  }
0xc: {  	[smem:$0x3FB1] =	sst s4  }
0xd: {  	[smem:$0x3FB2] =	sst s5  }
0xe: {  	[smem:$0x3FB3] =	sst s6  }
0xf: {  	[smem:$0x3FB4] =	sst s7  }
0x10: {  	[smem:$0x3FB5] =	sst s8  }
0x11: {  	[smem:$0x3FB6] =	sst s9;
	s0 =	simm.s32 @!p0 $0x0  }
0x12: {  	s1 =	sld [smem:$0x3F9C];
	s0 =	simm.s32 @p0 $0x1  }
0x13: {  	[smem:$0x3FB7] =	sst s0;
	s0 =	simm.s32 @!p1 $0x0  }
0x14: {  	s2 =	sld [smem:$0x3F9B];
	s0 =	simm.s32 @p1 $0x1  }
0x15: {  	[smem:$0x3FB8] =	sst s0;
	s0 =	simm.s32 @!p2 $0x0  }
0x16: {  	s3 =	sld [smem:$0x3FDB];
	s0 =	simm.s32 @p2 $0x1  }
0x17: {  	s4 =	simm.s32 $0x1BF5;
	[smem:$0x3FBA] =	sst s0  }
0x18: {  	s0 =	sld [smem:$0x3F9D];
	_ =	swait.ge [sflag:s4], $0x0  }
0x19: {  	s7 =	sld [smem:$0x3F9E]  }
0x1a: {  	s8 =	sadd.s32 $0xFFFFE003, lr  }
0x1b: {  	s9 =	sadd.s32 $0xFFFFFEF7, lr;
	s5 =	simm.s32 $0xFFFFFFFF;
	p2 =	slt.u32 s8, $0xFFFFF086  }
0x1c: {  	p1 =	slt.u32 s9, $0xF7A;
	s5 =	simm.s32 @!p2 $0x0  }
0x1d: {  	s5 =	simm.s32 @p1 $0x1;
	p0 =	seq.s32 s7, s2  }
0x1e: {  	s7 =	smul.u32 @!p0 $0xF7A, s2;
	p2 =	seq.s32 @!p0 s5, $0x0  }
0x1f: {  	s9 =	smul.u32 $0xF7A, s1;
	s8 =	simm.s32 @!p0 $0x1BF5;
	p2 =	por !p2, p0  }
0x20: {  	[sflag:s8] =	ssyncset.s32 @!p0 $0xFFFFF086;
	s6 =	sadd.s32 @!p0 s3, s7;
	s7 =	simm.s32 @!p0 $0x108  }
0x21: {  	s3 =	sadd.s32 s3, s9;
	s6 =	sadd.s32 @!p0 $0x88, s6;
	s7 =	simm.s32 @p2 $0x1082  }
0x22: {  	[simem:s7], [sflag:s8] =	dma.local @!p0 [hbm:s6], $0xF7A  }
0x23: {  	s9 =	sor.u32 $0xD0000000, s2;
	s6 =	simm.s32 $0x108;
	_ =	swait.ge @!p0 [sflag:s8], $0x0  }
0x24: {  	s3 =	sadd.s32 $0x88, s3;
	s6 =	simm.s32 @!p1 $0x1082;
	[sflag:s4] =	ssyncset.s32 $0xFFFFF086  }
0x25: {  	[simem:s6], [sflag:s4] =	dma.local [hbm:s3], $0xF7A  }
0x26: {  	[smem:$0x3F9E] =	sst s1;
	(tag) =	ssettag s2;
	_ =	strace s9  }
0x27: {  	s1 =	sld [smem:$0x3FAE]  }
0x28: {  	s2 =	sld [smem:$0x3FAF]  }
0x29: {  	s4 =	sld [smem:$0x3FB1]  }
0x2a: {  	p0 =	seq.s32 s5, $0x0;
	s5 =	sld [smem:$0x3FB2]  }
0x2b: {  	s6 =	sld [smem:$0x3FB3]  }
0x2c: {  	s7 =	sld [smem:$0x3FB4]  }
0x2d: {  	s3 =	simm.s32 $0x108;
	s8 =	sld [smem:$0x3FB5]  }
0x2e: {  	s3 =	simm.s32 @!p0 $0x1082;
	s9 =	sld [smem:$0x3FB6]  }
0x2f: {  	lr =	sadd.s32 s0, s3;
	s0 =	sld [smem:$0x3FAD]  }
0x30: {  	s3 =	sld [smem:$0x3FB0]  }
0x31: {  	[smem:$0x3FB9] =	sst s10  }
0x32: {  	s10 =	sld [smem:$0x3FB7];
	_ =	sdelay $0x3  }
0x33: {  	p0 =	seq.s32 s10, $0x1;
	s10 =	sld [smem:$0x3FB9];
	_ =	sdelay $0x3  }
0x34: {  	[smem:$0x3FB9] =	sst s10  }
0x35: {  	s10 =	sld [smem:$0x3FB8];
	_ =	sdelay $0x3  }
0x36: {  	p1 =	seq.s32 s10, $0x1;
	s10 =	sld [smem:$0x3FB9];
	_ =	sdelay $0x3  }
0x37: {  	[smem:$0x3FB9] =	sst s10  }
0x38: {  	s10 =	sld [smem:$0x3FBA]  }
0x39: {  	_ = 	snop;
	(pc) =	sbr.ind lr, $3  }
0x3a: {  	_ = 	snop  }
0x3b: {  	_ = 	snop  }
0x3c: {  	p2 =	seq.s32 s10, $0x1;
	s10 =	sld [smem:$0x3FB9]  }
0x3d: {  	_ =	shalt  }
0x3e: {  	_ =	shalt  }
0x3f: {  	_ =	shalt  }
0x40: {  	_ =	shalt  }
0x41: {  	_ =	shalt  }
0x42: {  	_ =	shalt  }
0x43: {  	_ =	shalt  }
0x44: {  	_ =	shalt  }
0x45: {  	_ =	shalt  }
0x46: {  	_ =	shalt  }
0x47: {  	_ =	shalt  }
0x48: {  	_ =	shalt  }
0x49: {  	_ =	shalt  }
0x4a: {  	_ =	shalt  }
0x4b: {  	_ =	shalt  }
0x4c: {  	_ =	shalt  }
0x4d: {  	_ =	shalt  }
0x4e: {  	_ =	shalt  }
0x4f: {  	_ =	shalt  }
0x50: {  	_ =	shalt  }
0x51: {  	_ =	shalt  }
0x52: {  	_ =	shalt  }
0x53: {  	_ =	shalt  }
0x54: {  	_ =	shalt  }
0x55: {  	_ =	shalt  }
0x56: {  	_ =	shalt  }
0x57: {  	_ =	shalt  }
0x58: {  	_ =	shalt  }
0x59: {  	_ =	shalt  }
0x5a: {  	_ =	shalt  }
0x5b: {  	_ =	shalt  }
0x5c: {  	_ =	shalt  }
0x5d: {  	_ =	shalt  }
0x5e: {  	_ =	shalt  }
0x5f: {  	_ =	shalt  }
0x60: {  	_ =	shalt  }
0x61: {  	_ =	shalt  }
0x62: {  	_ =	shalt  }
0x63: {  	_ =	shalt  }
0x64: {  	_ =	shalt  }
0x65: {  	_ =	shalt  }
0x66: {  	_ =	shalt  }
0x67: {  	_ =	shalt  }
0x68: {  	_ =	shalt  }
0x69: {  	_ =	shalt  }
0x6a: {  	_ =	shalt  }
0x6b: {  	_ =	shalt  }
0x6c: {  	_ =	shalt  }
0x6d: {  	_ =	shalt  }
0x6e: {  	_ =	shalt  }
0x6f: {  	_ =	shalt  }
0x70: {  	_ =	shalt  }
0x71: {  	_ =	shalt  }
0x72: {  	_ =	shalt  }
0x73: {  	_ =	shalt  }
0x74: {  	_ =	shalt  }
0x75: {  	_ =	shalt  }
0x76: {  	_ =	shalt  }
0x77: {  	_ =	shalt  }
0x78: {  	_ =	shalt  }
0x79: {  	_ =	shalt  }
0x7a: {  	_ =	shalt  }
0x7b: {  	_ =	shalt  }
0x7c: {  	_ =	shalt  }
0x7d: {  	_ =	shalt  }
0x7e: {  	_ =	shalt  }
0x7f: {  	_ =	shalt  }
0x80: {  	_ =	shalt  }
0x81: {  	_ =	shalt  }
0x82: {  	_ =	shalt  }
0x83: {  	_ =	shalt  }
0x84: {  	_ =	shalt  }
0x85: {  	_ =	shalt  }
0x86: {  	_ =	shalt  }
0x87: {  	_ =	shalt  }
.Lfunc_end0:
.L_simem_size_0:
called_computation_lowered:
.L_overlay_start_0:
0x88: {  	s2 =	sld [smem:$0x3FD9]  }
0x89: {  	s3 =	sld [smem:$0x3FFE];
	_ =	sdelay $0x1  }
0x8a: {  	s1 =	srdreg.scid  }
0x8b: {  	s0 =	sand.u32 $0x1, s1  }
0x8c: {  	s17 =	sshll.u32 s0, $0xA;
	s2 =	sadd.s32 s3, s2  }
0x8d: {  	s2 =	sadd.s32 s2, s17  }
0x8e: {  	[smem:$0x3FC5] =	sst s2  }
0x8f: {  	_ = 	snop  }
0x90: {  	s2 =	sld [smem:$0x3FC9];
	(tm) =	ssettm $0x1  }
0x91: {  	s18 =	sld [smem:$0x3FFB];
	_ =	sdelay $0x3  }
0x92: {  	_ =	strace s18  }
0x93: {  	s3 =	sld [smem:$0x3FFC];
	_ =	sdelay $0x3  }
0x94: {  	_ =	strace s3  }
0x95: {  	s3 =	sld [smem:$0x3FFD];
	_ =	sdelay $0x3  }
0x96: {  	_ =	strace s3  }
0x97: {  	_ =	strace $0x8FFFFFFF  }
0x98: {  	s19 =	sld [smem:$0x3FDB];
	_ =	sdelay $0x1  }
0x99: {  	s4 =	simm.s32 $_scs_section_size  }
0x9a: {  	s5 =	simm.s32 $_size__tile_overlayer_lowered;
	s6 =	simm.s32 $_tile_overlayer_lowered  }
0x9b: {  	s22 =	simm.s32 $0x1BFF;
	s21 =	sshll.u32 s6, $0x1;
	s3 =	sadd.s32 s4, s19  }
0x9c: {  	s7 =	simm.s32 $0x0;
	s20 =	sshll.u32 s5, $0x1;
	s5 =	sadd.s32 s21, s3  }
0x9d: {  	[timem:s7], [sflag:s22] =	dma.local [hbm:s5], s20  }
0x9e: {  	_ =	swait.ge [sflag:s22], s20  }
0x9f: {  	s4 =	ssub.s32 $0x0, s20;
	[sflag:s22] =	ssyncset.done $0x0  }
0xa0: {  	[sflag:s22] =	ssyncadd.s32 s4;
	_ =	sdelay $0x1  }
0xa1: {  	s23 =	simm.s32 $0x1B8B  }
0xa2: {  	_ =	swait.ge [sflag:s23], $0x1  }
0xa3: {  	[sflag:s23] =	ssyncset.done $0x0  }
0xa4: {  	s25 =	simm.s32 $0x1B8E;
	s24 =	sld [smem:$0x3FFE];
	[sflag:s23] =	ssyncadd.s32 $0xFFFFFFFF  }
0xa5: {  	s26 =	simm.s32 $execute0_lowered;
	[smem:$0x3FD2] =	sst s25  }
0xa6: {  	s5 =	sshll.u32 s26, $0x1;
	_ =	strace $0x80000046;
	[dreg:$0x1] =	wrdreg $0xFFFFFFFF  }
0xa7: {  	s28 =	simm.s32 $_size_execute0_lowered;
	s3 =	sadd.s32 s3, s5;
	[dreg:$0x0] =	wrdreg $0x0  }
0xa8: {  	s5 =	sshll.u32 s28, $0x1;
	[dreg:$0x2] =	wrdreg s3  }
0xa9: {  	[dreg:$0x3] =	wrdreg s5  }
0xaa: {  	[dreg:$0x4] =	wrdreg $0xC0  }
0xab: {  	_ =	task [dreg:s7], $0x5FFFF  }
0xac: {  	[dreg:$0x1] =	wrdreg $0xFFFFFFFF  }
0xad: {  	[dreg:$0x0] =	wrdreg $0x60  }
0xae: {  	[dreg:$0x2] =	wrdreg s24  }
0xaf: {  	[dreg:$0x3] =	wrdreg s2  }
0xb0: {  	[dreg:$0x4] =	wrdreg $0x9  }
0xb1: {  	_ =	task.clear_ibuf [dreg:s7], $0x5FFFF;
	_ =	strace $0x90000046  }
0xb2: {  	s29 =	simm.s32 $0x9;
	_ =	strace $0x80000048  }
0xb3: {  	_ =	swait.ge [sflag:s29], $0x1  }
0xb4: {  	[sflag:s29] =	ssyncadd.s32 $0xFFFFFFFF  }
0xb5: {  	_ =	strace $0x90000048  }
0xb6: {  	_ =	sfence  }
0xb7: {  	s30 =	sld [smem:$0x0];
	_ =	sdelay $0x2  }
0xb8: {  	s31 =	sshll.u32 s1, $0xD;
	s1 =	sshrl.u32 s1, $0x2  }
0xb9: {  	s3 =	sand.u32 $0x4000, s31;
	s1 =	sadd.s32 s1, s30  }
0xba: {  	s0 =	sor.u32 s3, s0;
	s1 =	sshll.u32 s1, $0x11  }
0xbb: {  	s0 =	sor.u32 s1, s0  }
0xbc: {  	s0 =	sadd.s32 $0x8F2B, s0  }
0xbd: {  	[sflag:s0] =	ssyncadd.remote.s32 $0x1  }
0xbe: {  	_ =	sfence.sel $0xFFFF  }
0xbf: {  	[dreg:$0x0] =	wrdreg $0xFFFFFFFF;
	(pc) =	sbr.abs _section_cstart, $3  }
0xc0: {  	[dreg:$0x1] =	wrdreg $0xFFFFFFFF  }
0xc1: {  	_ =	task.clear_ibuf [dreg:s7], $0x2FFFF;
	_ =	strace $0x9FFFFFFF  }
0xc2: {  	(tm) =	ssettm $0x7FFFFFFF  }
0xc3: {  	_ =	shalt  }
tec
execute0_lowered:
.L_overlay_start_1:
0x0: {  	(tag) =	ssettag $0x1  }
0x1: {  	s1 =	stileid.u32  }
0x2: {  	p0 =	sgt.u32 s1, $0x7  }
.Ltmp0:
0x3: {  	_ = 	snop;
	(pc) =	sbr.rel @p0 .LBB2_3-.Ltmp0, $4  }
0x4: {  	s4 =	rddreg [dreg:$0x0]  }
0x5: {  	s2 =	rddreg [dreg:$0x1];
	s3 =	simm.s32 $0x0  }
0x6: {  	[smem:$0x7FF] =	sst s3  }
0x7: {  	s0 =	rddreg [dreg:$0x2];
	_ =	strace $0x80000047  }
0x8: {  	s5 =	srdreg.scid;
	s6 =	sshll.u32 s1, $0x1;
	s7 =	sadd.s32 $0x1600, s4  }
0x9: {  	s12 =	simm.s32 $0x180;
	s13 =	simm.s32 $0x10;
	s5 =	sand.u32 $0x1, s5  }
0xa: {  	s14 =	simm.s32 $0x200;
	s15 =	simm.s32 $0x1;
	s6 =	sor.u32 s5, s6  }
0xb: {  	s10 =	ssub.s32 $0x2, s5;
	s8 =	sshll.u32 s6, $0x4;
	s6 =	sshll.u32 s6, $0x8  }
0xc: {  	s11 =	sshrl.u32 s10, $0x1;
	s9 =	sadd.s32 s8, s4;
	s6 =	sadd.s32 s6, s4  }
0xd: {  	s31 =	ssub.s32 s10, s11;
	s7 =	sadd.s32 s7, s8;
	s10 =	simm.s32 $0x80  }
0xe: {  	s11 =	simm.s32 $0x100;
	s4 =	sadd.s32 $0x1400, s9;
	s5 =	sadd.s32 $0x1200, s9  }
0xf: {  	v0 =	vimm.s32 $0x0;
	s6 =	sadd.s32 $0x1800, s6;
	s8 =	smax.u32 s31, $0x1;
	s9 =	simm.s32 $0x2  }
.LBB2_2:
0x10: {  	[tilespmem:s3], [sflag:$0x2] =	stream.linear.gather [hbm4b:s7+s3], $0x80, $0x38;
	[tilespmem:$0xA00] =	vst v63  }
0x11: {  	_ =	swait.ge [sflag:s9], $0x80  }
0x12: {  	[sflag:s9] =	ssyncset.done $0x0  }
0x13: {  	[sflag:s9] =	ssyncadd.s32 $0xFFFFFF80  }
0x14: {  	[tilespmem:s10], [sflag:$0x2] =	stream.linear.gather [hbm4b:s4+s3], $0x80, $0x38;
	[tilespmem:$0xA00] =	vst v63  }
0x15: {  	_ =	swait.ge [sflag:s9], $0x80  }
0x16: {  	[sflag:s9] =	ssyncset.done $0x0  }
0x17: {  	[sflag:s9] =	ssyncadd.s32 $0xFFFFFF80  }
0x18: {  	[tilespmem:s11], [sflag:$0x2] =	stream.linear.gather [hbm4b:s5+s3], $0x80, $0x38;
	[tilespmem:$0xA00] =	vst v63  }
0x19: {  	_ =	swait.ge [sflag:s9], $0x80  }
0x1a: {  	[sflag:s9] =	ssyncset.done $0x0  }
0x1b: {  	[sflag:s9] =	ssyncadd.s32 $0xFFFFFF80  }
0x1c: {  	v1 =	vld [tilespmem:$0x80]  }
0x1d: {  	v2 =	vld [tilespmem:$0x100];
	_ =	sdelay $0x4  }
0x1e: {  	vm0 =	vlt.s32 v1, v2  }
0x1f: {  	v1 =	vsel vm0, $0x1, v0  }
0x20: {  	(xrf0) =	vadd.scan.msk.s32 $0xffff, v1;
	_ =	sdelay $0x5  }
0x21: {  	v1, _, _ =	vpop (xrf0)  }
0x22: {  	v1 =	vadd.s32 $0xFFFFFFFF, v1  }
0x23: {  	vm1 =	vlt.s32 v1, $0x10  }
0x24: {  	vm1 =	vmand vm0, vm1  }
0x25: {  	v2 =	vld [tilespmem:$0x0];
	_ =	sdelay $0x4  }
0x26: {  	[tilespmem:v1+s12+$0x0] =	vst.idx.msk vm1, v2  }
0x27: {  	v1 =	vld [tilespmem:$0x90]  }
0x28: {  	v2 =	vld [tilespmem:$0x110];
	_ =	sdelay $0x4  }
0x29: {  	vm10 =	vlt.s32 v1, v2  }
0x2a: {  	v1 =	vsel vm10, $0x1, v0  }
0x2b: {  	(xrf0) =	vadd.scan.msk.s32 $0xffff, v1;
	_ =	sdelay $0x3  }
0x2c: {  	v1 =	vmpcnt.ones.xlane vm0;
	_ =	sdelay $0x1  }
0x2d: {  	v1 =	vadd.s32 $0xFFFFFFFF, v1;
	v2, _, _ =	vpop (xrf0)  }
0x2e: {  	v2 =	vadd.s32 v2, v1  }
0x2f: {  	vm11 =	vlt.s32 v2, $0x10  }
0x30: {  	vm0 =	vmand vm10, vm11  }
0x31: {  	v3 =	vld [tilespmem:$0x10];
	_ =	sdelay $0x4  }
0x32: {  	[tilespmem:v2+s12+$0x0] =	vst.idx.msk vm0, v3  }
0x33: {  	v2 =	vld [tilespmem:$0xA0]  }
0x34: {  	v3 =	vld [tilespmem:$0x120];
	_ =	sdelay $0x4  }
0x35: {  	vm12 =	vlt.s32 v2, v3  }
0x36: {  	v2 =	vsel vm12, $0x1, v0  }
0x37: {  	(xrf0) =	vadd.scan.msk.s32 $0xffff, v2;
	_ =	sdelay $0x3  }
0x38: {  	v2 =	vmpcnt.ones.xlane vm10;
	_ =	sdelay $0x1  }
0x39: {  	v1 =	vadd.s32 v2, v1;
	v3, _, _ =	vpop (xrf0)  }
0x3a: {  	v2 =	vadd.s32 v3, v1  }
0x3b: {  	vm13 =	vlt.s32 v2, $0x10  }
0x3c: {  	vm1 =	vmand vm12, vm13  }
0x3d: {  	v3 =	vld [tilespmem:$0x20];
	_ =	sdelay $0x4  }
0x3e: {  	[tilespmem:v2+s12+$0x0] =	vst.idx.msk vm1, v3  }
0x3f: {  	v2 =	vld [tilespmem:$0xB0]  }
0x40: {  	v3 =	vld [tilespmem:$0x130];
	_ =	sdelay $0x4  }
0x41: {  	vm14 =	vlt.s32 v2, v3  }
0x42: {  	v2 =	vsel vm14, $0x1, v0  }
0x43: {  	(xrf0) =	vadd.scan.msk.s32 $0xffff, v2;
	_ =	sdelay $0x3  }
0x44: {  	v2 =	vmpcnt.ones.xlane vm12;
	_ =	sdelay $0x1  }
0x45: {  	v1 =	vadd.s32 v2, v1;
	v3, _, _ =	vpop (xrf0)  }
0x46: {  	v1 =	vadd.s32 v3, v1  }
0x47: {  	vm15 =	vlt.s32 v1, $0x10  }
0x48: {  	vm0 =	vmand vm14, vm15  }
0x49: {  	v2 =	vld [tilespmem:$0x30];
	_ =	sdelay $0x4  }
0x4a: {  	[tilespmem:v1+s12+$0x0] =	vst.idx.msk vm0, v2  }
0x4b: {  	[tilespmem:s14], [sflag:$0x1] =	stream.indirect.gather [hbm4b:s2+s13], $0x80, s12, s13, $0xb8;
	[tilespmem:$0xA00] =	vst v63  }
0x4c: {  	_ =	swait.ge [sflag:s15], $0x800  }
0x4d: {  	p0 =	sne.s32 s8, $0x1;
	[sflag:s15] =	ssyncset.done $0x0  }
.Ltmp1:
0x4e: {  	[sflag:s15] =	ssyncadd.s32 $0xFFFFF800;
	(pc) =	sbr.rel @p0 .LBB2_2-.Ltmp1, $4  }
0x4f: {  	[hbm4b:s6+s3] =	stream.linear.scatter [tilespmem:s14], [sflag:$0x2], $0x800, $0x38;
	[tilespmem:$0xA00] =	vst v63  }
0x50: {  	_ =	swait.ge [sflag:s9], $0x800  }
0x51: {  	[sflag:s9] =	ssyncset.done $0x0  }
0x52: {  	s8 =	sadd.s32 $0xFFFFFFFF, s8;
	[sflag:s9] =	ssyncadd.s32 $0xFFFFF800  }
.LBB2_3:
0x53: {  	_ =	sfence.sel $0x180000  }
0x54: {  	[bflag:$0x0] =	sbarrier.arrive $0xFFFF  }
0x55: {  	p0 =	sne.s32 s1, $0x0;
	_ =	strace $0x90000047  }
0x56: {  	s0 =	sadd.s32 @!p0 $0x100000, s0;
	[bflag:$0x2] =	sbarrier.arrive $0xFFFF  }
0x57: {  	[sflag:s0] =	ssyncadd.tile.s32 @!p0 $0x1;
	_ =	shalt  }
.Lfunc_end2:
_tile_overlayer_lowered:
.L_overlay_start_2:
0x58: {  	(tag) =	ssettag $0x2  }
0x59: {  	s0 =	rddreg [dreg:$0x0];
	s2 =	stileid.u32  }
0x5a: {  	s1 =	rddreg [dreg:$0x1];
	p0 =	sne.s32 s2, $0x0  }
0x5b: {  	s3 =	rddreg [dreg:$0x2];
	[bflag:$0x3] =	sbarrier.arrive $0xFFFF;
	s2 =	simm.s32 @!p0 $0x1C02  }
0x5c: {  	[timem:s3], [sflag:s2] =	dma.local @!p0 [hbm:s0], s1  }
0x5d: {  	s0 =	simm.s32 @!p0 $0x2  }
0x5e: {  	_ =	swait.ge @!p0 [sflag:s0], s1  }
0x5f: {  	s1 =	ssub.s32 @!p0 $0x0, s1;
	[sflag:s0] =	ssyncset.done @!p0 $0x0  }
0x60: {  	[sflag:s0] =	ssyncadd.s32 @!p0 s1  }
0x61: {  	[bflag:$0x3] =	sbarrier.arrive $0xFFFF  }
0x62: {  	_ =	shalt  }

</sc_bundles>
